<compile_context>
chip_gen: v7x
topology: tpu7x:2x2x1
jax: 0.10.2.dev20260603
libtpu: 0.0.44.dev20260713+nightly
codegen_flags: <defaults>
</compile_context>

<pallas_src>
import functools

import jax
import jax.numpy as jnp
from jax import lax
from jax.experimental import pallas as pl
from jax.experimental.pallas import tpu as pltpu
from jax.experimental.pallas import tpu_sc as plsc

EMB = 64
NUM_CORES = 2
NUM_SUBCORES = 16
NW = NUM_CORES * NUM_SUBCORES

G = 128
NGRP = G // 16


def _embedding_lookup(ids2d, table2):
    n_groups, _ = ids2d.shape
    n = n_groups * G
    grp_per_w = n_groups // NW

    mesh = plsc.VectorSubcoreMesh(
        core_axis_name="c", subcore_axis_name="s",
        num_cores=NUM_CORES, num_subcores=NUM_SUBCORES)

    @functools.partial(
        pl.kernel,
        mesh=mesh,
        out_type=jax.ShapeDtypeStruct((n, EMB), jnp.float32),
        scratch_types=[
            pltpu.VMEM((grp_per_w, G), jnp.int32),
            pltpu.VMEM((2, G), jnp.int32),
            pltpu.VMEM((2, G, 2 * EMB), jnp.float32),
            pltpu.VMEM((2, G, EMB), jnp.float32),
            pltpu.SemaphoreType.DMA((2,)),
            pltpu.SemaphoreType.DMA((2,)),
        ],
    )
    def emb_kernel(ids_hbm, tbl_hbm, out_hbm,
                   ids_v, hidx_v, slab_v, outb_v, gsem, wsem):
        wid = lax.axis_index("s") * NUM_CORES + lax.axis_index("c")
        base_grp = wid * grp_per_w
        pltpu.sync_copy(ids_hbm.at[pl.ds(base_grp, grp_per_w)], ids_v)

        def fire(g, b):
            for r in range(NGRP):
                ids16 = ids_v[g, pl.ds(16 * r, 16)]
                hidx_v[b, pl.ds(16 * r, 16)] = lax.shift_right_logical(
                    ids16, 1)
            pltpu.async_copy(tbl_hbm.at[hidx_v.at[b]], slab_v.at[b],
                             gsem.at[b])

        def drain(b):
            pltpu.make_async_copy(tbl_hbm.at[hidx_v.at[b]], slab_v.at[b],
                                  gsem.at[b]).wait()

        def wait_write(b):
            pltpu.make_async_copy(outb_v.at[b], out_hbm.at[pl.ds(0, G)],
                                  wsem.at[b]).wait()

        fire(0, 0)

        @pl.loop(0, grp_per_w, step=2)
        def _main(j):
            for b in range(2):
                g = j + b
                drain(b)

                @pl.when(g + 1 < grp_per_w)
                def _prefetch():
                    fire(g + 1, 1 - b)

                @pl.when(g >= 2)
                def _reclaim():
                    wait_write(b)

                slab = slab_v.at[b]
                outb = outb_v.at[b]

                @pl.loop(0, G)
                def _rows(row):
                    rg = lax.div(row, 16) * 16
                    lane = lax.rem(row, 16)
                    p16 = (ids_v[g, pl.ds(rg, 16)] & 1).astype(jnp.float32)
                    idx = jnp.full((16,), lane, dtype=jnp.int32)
                    pv = p16.at[idx].get(mode="promise_in_bounds")
                    for s in range(EMB // 16):
                        lo = slab[row, pl.ds(16 * s, 16)]
                        hi = slab[row, pl.ds(EMB + 16 * s, 16)]
                        outb[row, pl.ds(16 * s, 16)] = lo + pv * (hi - lo)

                off = (base_grp + g) * G
                pltpu.async_copy(outb, out_hbm.at[pl.ds(off, G)],
                                 wsem.at[b])

        wait_write(0)
        wait_write(1)

    return emb_kernel(ids2d, table2)


def kernel(input_ids, table):
    b, s = input_ids.shape
    n = b * s
    ids2d = input_ids.astype(jnp.int32).reshape(n // G, G)
    table2 = lax.optimization_barrier(
        table.reshape(table.shape[0] // 2, 2 * EMB))
    out = _embedding_lookup(ids2d, table2)
    return out.reshape(b, s, EMB)

# --- scband reference (transcript-rebuilt; emitter-appended) ---
"""Pipeline reference for scband-token-embedding-88802743812442 (READ-ONLY COPY).

The authoritative reference and input builder live on the scoring server;
editing this copy changes nothing except your own understanding.
"""

import jax, jax.numpy as jnp
import numpy as np

VOCAB = 1000000
EMB_DIM = 64
PAD_IDX = 0

def setup_inputs(seed: int = 0) -> dict:
    key = jax.random.key(seed)
    k_idx, k_w = jax.random.split(key)
    input_ids = jax.random.randint(k_idx, (4096, 200), 0, VOCAB, dtype=jnp.int64 if jax.config.jax_enable_x64 else jnp.int32)
    # xavier_uniform init for the embedding table
    fan_in, fan_out = VOCAB, EMB_DIM
    limit = float(np.sqrt(6.0 / (fan_in + fan_out)))
    table = jax.random.uniform(k_w, (VOCAB, EMB_DIM), dtype=jnp.float32, minval=-limit, maxval=limit)
    # padding row zeroed, as in the torch module __init__
    table = table.at[PAD_IDX].set(0.0)
    return {"input_ids": input_ids, "table": table}

def reference(input_ids, table):
    # nn.Embedding forward: gather rows; padding_idx row is zero by construction
    emb = table.at[PAD_IDX].set(0.0)
    token_embeddings = jnp.take(emb, input_ids, axis=0)
    return token_embeddings

if __name__ == "__main__":
    import jax
    _d = setup_inputs()
    print(jax.jit(kernel)(*tuple(_d.values())))

</pallas_src>

<mosaic_0001>
#map = affine_map<(d0, d1) -> (0, 0)>
module attributes {stable_mosaic.version = 14 : i64} {
  func.func @emb_kernel(%arg0: i32, %arg1: i32, %arg2: memref<6400x128xi32, #tpu.memory_space<hbm>>, %arg3: memref<500000x128xf32, #tpu.memory_space<hbm>>, %arg4: memref<819200x64xf32, #tpu.memory_space<hbm>>, %arg5: memref<200x128xi32, #tpu.memory_space<vmem>>, %arg6: memref<2x128xi32, #tpu.memory_space<vmem>>, %arg7: memref<2x128x128xf32, #tpu.memory_space<vmem>>, %arg8: memref<2x128x64xf32, #tpu.memory_space<vmem>>, %arg9: memref<2x!tpu.dma_semaphore, #tpu.memory_space<semaphore_mem>>, %arg10: memref<2x!tpu.dma_semaphore, #tpu.memory_space<semaphore_mem>>) attributes {dimension_semantics = [#tpu.dimension_semantics<core_parallel>, #tpu.dimension_semantics<subcore_parallel>], iteration_bounds = array<i64: 2, 16>, scalar_prefetch = 0 : i64, scratch_operands = 6 : i64, tpu.core_type = #tpu.core_type<sc_vector_subcore>, window_params = [{transform_indices = #map}, {transform_indices = #map}, {transform_indices = #map}]} {
    %mul3A = arith.constant 2 : i32
    %mul3A_0 = arith.muli %arg1, %mul3A : i32
    %add3A = arith.addi %mul3A_0, %arg0 : i32
    %mul3A_1 = arith.constant 200 : i32
    %mul3A_2 = arith.muli %add3A, %mul3A_1 : i32
    "tpu.region"() ({
      %run_scoped3A = tpu.sem_alloc : memref<!tpu.dma_semaphore, #tpu.memory_space<semaphore_mem>>
      %dma_start3A_165 = arith.constant 0 : i32
      %dma_start3A_166 = tpu.memref_slice %arg2[%mul3A_2, %dma_start3A_165] : memref<6400x128xi32, #tpu.memory_space<hbm>> -> memref<200x128xi32, #tpu.memory_space<hbm>>
      %dma_start3A_167 = arith.constant 0 : i32
      %dma_start3A_168 = tpu.memref_slice %arg2[%mul3A_2, %dma_start3A_167] : memref<6400x128xi32, #tpu.memory_space<hbm>> -> memref<200x128xi32, #tpu.memory_space<hbm>>
      tpu.enqueue_dma source(%dma_start3A_168 : memref<200x128xi32, #tpu.memory_space<hbm>>) target(%arg5 : memref<200x128xi32, #tpu.memory_space<vmem>>) target_semaphore(%run_scoped3A : memref<!tpu.dma_semaphore, #tpu.memory_space<semaphore_mem>>)
      %dma_wait3A_169 = arith.constant 0 : i32
      %dma_wait3A_170 = tpu.memref_slice %arg2[%mul3A_2, %dma_wait3A_169] : memref<6400x128xi32, #tpu.memory_space<hbm>> -> memref<200x128xi32, #tpu.memory_space<hbm>>
      %dma_wait3A_171 = arith.constant 0 : i32
      %dma_wait3A_172 = tpu.memref_slice %arg2[%mul3A_2, %dma_wait3A_171] : memref<6400x128xi32, #tpu.memory_space<hbm>> -> memref<200x128xi32, #tpu.memory_space<hbm>>
      tpu.wait_dma2 semaphore(%run_scoped3A : memref<!tpu.dma_semaphore, #tpu.memory_space<semaphore_mem>>) src(%dma_wait3A_172 : memref<200x128xi32, #tpu.memory_space<hbm>>) dst(%arg5 : memref<200x128xi32, #tpu.memory_space<vmem>>)
      tpu.yield
    }) : () -> ()
    %get3A = arith.constant 0 : i32
    %get3A_3 = arith.index_cast %get3A : i32 to index
    %get3A_4 = arith.constant 0 : index
    %get3A_5 = tpu.vector_load %arg5[%get3A_3, %get3A_4] {strides = array<i32>} : memref<200x128xi32, #tpu.memory_space<vmem>>, vector<1x16xi32>,
    %get3A_6 = vector.shape_cast %get3A_5 : vector<1x16xi32> to vector<16xi32>
    %shift_right_logical3A = arith.constant 1 : i32
    %shift_right_logical3A_7 = vector.broadcast %shift_right_logical3A : i32 to vector<16xi32>
    %shift_right_logical3A_8 = arith.shrui %get3A_6, %shift_right_logical3A_7 : vector<16xi32>
    %swap3A = arith.constant 0 : i32
    %swap3A_9 = arith.index_cast %swap3A : i32 to index
    %swap3A_10 = arith.constant 0 : index
    %swap3A_11 = tpu.vector_load %arg6[%swap3A_9, %swap3A_10] {strides = array<i32>} : memref<2x128xi32, #tpu.memory_space<vmem>>, vector<1x16xi32>,
    %swap3A_12 = vector.shape_cast %swap3A_11 : vector<1x16xi32> to vector<16xi32>
    %swap3A_13 = vector.shape_cast %shift_right_logical3A_8 : vector<16xi32> to vector<1x16xi32>
    tpu.vector_store %arg6[%swap3A_9, %swap3A_10], %swap3A_13 {strides = array<i32>} : memref<2x128xi32, #tpu.memory_space<vmem>>, vector<1x16xi32>,
    %get3A_14 = arith.constant 0 : i32
    %get3A_15 = arith.index_cast %get3A_14 : i32 to index
    %get3A_16 = arith.constant 16 : index
    %get3A_17 = tpu.vector_load %arg5[%get3A_15, %get3A_16] {strides = array<i32>} : memref<200x128xi32, #tpu.memory_space<vmem>>, vector<1x16xi32>,
    %get3A_18 = vector.shape_cast %get3A_17 : vector<1x16xi32> to vector<16xi32>
    %shift_right_logical3A_19 = arith.constant 1 : i32
    %shift_right_logical3A_20 = vector.broadcast %shift_right_logical3A_19 : i32 to vector<16xi32>
    %shift_right_logical3A_21 = arith.shrui %get3A_18, %shift_right_logical3A_20 : vector<16xi32>
    %swap3A_22 = arith.constant 0 : i32
    %swap3A_23 = arith.index_cast %swap3A_22 : i32 to index
    %swap3A_24 = arith.constant 16 : index
    %swap3A_25 = tpu.vector_load %arg6[%swap3A_23, %swap3A_24] {strides = array<i32>} : memref<2x128xi32, #tpu.memory_space<vmem>>, vector<1x16xi32>,
    %swap3A_26 = vector.shape_cast %swap3A_25 : vector<1x16xi32> to vector<16xi32>
    %swap3A_27 = vector.shape_cast %shift_right_logical3A_21 : vector<16xi32> to vector<1x16xi32>
    tpu.vector_store %arg6[%swap3A_23, %swap3A_24], %swap3A_27 {strides = array<i32>} : memref<2x128xi32, #tpu.memory_space<vmem>>, vector<1x16xi32>,
    %get3A_28 = arith.constant 0 : i32
    %get3A_29 = arith.index_cast %get3A_28 : i32 to index
    %get3A_30 = arith.constant 32 : index
    %get3A_31 = tpu.vector_load %arg5[%get3A_29, %get3A_30] {strides = array<i32>} : memref<200x128xi32, #tpu.memory_space<vmem>>, vector<1x16xi32>,
    %get3A_32 = vector.shape_cast %get3A_31 : vector<1x16xi32> to vector<16xi32>
    %shift_right_logical3A_33 = arith.constant 1 : i32
    %shift_right_logical3A_34 = vector.broadcast %shift_right_logical3A_33 : i32 to vector<16xi32>
    %shift_right_logical3A_35 = arith.shrui %get3A_32, %shift_right_logical3A_34 : vector<16xi32>
    %swap3A_36 = arith.constant 0 : i32
    %swap3A_37 = arith.index_cast %swap3A_36 : i32 to index
    %swap3A_38 = arith.constant 32 : index
    %swap3A_39 = tpu.vector_load %arg6[%swap3A_37, %swap3A_38] {strides = array<i32>} : memref<2x128xi32, #tpu.memory_space<vmem>>, vector<1x16xi32>,
    %swap3A_40 = vector.shape_cast %swap3A_39 : vector<1x16xi32> to vector<16xi32>
    %swap3A_41 = vector.shape_cast %shift_right_logical3A_35 : vector<16xi32> to vector<1x16xi32>
    tpu.vector_store %arg6[%swap3A_37, %swap3A_38], %swap3A_41 {strides = array<i32>} : memref<2x128xi32, #tpu.memory_space<vmem>>, vector<1x16xi32>,
    %get3A_42 = arith.constant 0 : i32
    %get3A_43 = arith.index_cast %get3A_42 : i32 to index
    %get3A_44 = arith.constant 48 : index
    %get3A_45 = tpu.vector_load %arg5[%get3A_43, %get3A_44] {strides = array<i32>} : memref<200x128xi32, #tpu.memory_space<vmem>>, vector<1x16xi32>,
    %get3A_46 = vector.shape_cast %get3A_45 : vector<1x16xi32> to vector<16xi32>
    %shift_right_logical3A_47 = arith.constant 1 : i32
    %shift_right_logical3A_48 = vector.broadcast %shift_right_logical3A_47 : i32 to vector<16xi32>
    %shift_right_logical3A_49 = arith.shrui %get3A_46, %shift_right_logical3A_48 : vector<16xi32>
    %swap3A_50 = arith.constant 0 : i32
    %swap3A_51 = arith.index_cast %swap3A_50 : i32 to index
    %swap3A_52 = arith.constant 48 : index
    %swap3A_53 = tpu.vector_load %arg6[%swap3A_51, %swap3A_52] {strides = array<i32>} : memref<2x128xi32, #tpu.memory_space<vmem>>, vector<1x16xi32>,
    %swap3A_54 = vector.shape_cast %swap3A_53 : vector<1x16xi32> to vector<16xi32>
    %swap3A_55 = vector.shape_cast %shift_right_logical3A_49 : vector<16xi32> to vector<1x16xi32>
    tpu.vector_store %arg6[%swap3A_51, %swap3A_52], %swap3A_55 {strides = array<i32>} : memref<2x128xi32, #tpu.memory_space<vmem>>, vector<1x16xi32>,
    %get3A_56 = arith.constant 0 : i32
    %get3A_57 = arith.index_cast %get3A_56 : i32 to index
    %get3A_58 = arith.constant 64 : index
    %get3A_59 = tpu.vector_load %arg5[%get3A_57, %get3A_58] {strides = array<i32>} : memref<200x128xi32, #tpu.memory_space<vmem>>, vector<1x16xi32>,
    %get3A_60 = vector.shape_cast %get3A_59 : vector<1x16xi32> to vector<16xi32>
    %shift_right_logical3A_61 = arith.constant 1 : i32
    %shift_right_logical3A_62 = vector.broadcast %shift_right_logical3A_61 : i32 to vector<16xi32>
    %shift_right_logical3A_63 = arith.shrui %get3A_60, %shift_right_logical3A_62 : vector<16xi32>
    %swap3A_64 = arith.constant 0 : i32
    %swap3A_65 = arith.index_cast %swap3A_64 : i32 to index
    %swap3A_66 = arith.constant 64 : index
    %swap3A_67 = tpu.vector_load %arg6[%swap3A_65, %swap3A_66] {strides = array<i32>} : memref<2x128xi32, #tpu.memory_space<vmem>>, vector<1x16xi32>,
    %swap3A_68 = vector.shape_cast %swap3A_67 : vector<1x16xi32> to vector<16xi32>
    %swap3A_69 = vector.shape_cast %shift_right_logical3A_63 : vector<16xi32> to vector<1x16xi32>
    tpu.vector_store %arg6[%swap3A_65, %swap3A_66], %swap3A_69 {strides = array<i32>} : memref<2x128xi32, #tpu.memory_space<vmem>>, vector<1x16xi32>,
    %get3A_70 = arith.constant 0 : i32
    %get3A_71 = arith.index_cast %get3A_70 : i32 to index
    %get3A_72 = arith.constant 80 : index
    %get3A_73 = tpu.vector_load %arg5[%get3A_71, %get3A_72] {strides = array<i32>} : memref<200x128xi32, #tpu.memory_space<vmem>>, vector<1x16xi32>,
    %get3A_74 = vector.shape_cast %get3A_73 : vector<1x16xi32> to vector<16xi32>
    %shift_right_logical3A_75 = arith.constant 1 : i32
    %shift_right_logical3A_76 = vector.broadcast %shift_right_logical3A_75 : i32 to vector<16xi32>
    %shift_right_logical3A_77 = arith.shrui %get3A_74, %shift_right_logical3A_76 : vector<16xi32>
    %swap3A_78 = arith.constant 0 : i32
    %swap3A_79 = arith.index_cast %swap3A_78 : i32 to index
    %swap3A_80 = arith.constant 80 : index
    %swap3A_81 = tpu.vector_load %arg6[%swap3A_79, %swap3A_80] {strides = array<i32>} : memref<2x128xi32, #tpu.memory_space<vmem>>, vector<1x16xi32>,
    %swap3A_82 = vector.shape_cast %swap3A_81 : vector<1x16xi32> to vector<16xi32>
    %swap3A_83 = vector.shape_cast %shift_right_logical3A_77 : vector<16xi32> to vector<1x16xi32>
    tpu.vector_store %arg6[%swap3A_79, %swap3A_80], %swap3A_83 {strides = array<i32>} : memref<2x128xi32, #tpu.memory_space<vmem>>, vector<1x16xi32>,
    %get3A_84 = arith.constant 0 : i32
    %get3A_85 = arith.index_cast %get3A_84 : i32 to index
    %get3A_86 = arith.constant 96 : index
    %get3A_87 = tpu.vector_load %arg5[%get3A_85, %get3A_86] {strides = array<i32>} : memref<200x128xi32, #tpu.memory_space<vmem>>, vector<1x16xi32>,
    %get3A_88 = vector.shape_cast %get3A_87 : vector<1x16xi32> to vector<16xi32>
    %shift_right_logical3A_89 = arith.constant 1 : i32
    %shift_right_logical3A_90 = vector.broadcast %shift_right_logical3A_89 : i32 to vector<16xi32>
    %shift_right_logical3A_91 = arith.shrui %get3A_88, %shift_right_logical3A_90 : vector<16xi32>
    %swap3A_92 = arith.constant 0 : i32
    %swap3A_93 = arith.index_cast %swap3A_92 : i32 to index
    %swap3A_94 = arith.constant 96 : index
    %swap3A_95 = tpu.vector_load %arg6[%swap3A_93, %swap3A_94] {strides = array<i32>} : memref<2x128xi32, #tpu.memory_space<vmem>>, vector<1x16xi32>,
    %swap3A_96 = vector.shape_cast %swap3A_95 : vector<1x16xi32> to vector<16xi32>
    %swap3A_97 = vector.shape_cast %shift_right_logical3A_91 : vector<16xi32> to vector<1x16xi32>
    tpu.vector_store %arg6[%swap3A_93, %swap3A_94], %swap3A_97 {strides = array<i32>} : memref<2x128xi32, #tpu.memory_space<vmem>>, vector<1x16xi32>,
    %get3A_98 = arith.constant 0 : i32
    %get3A_99 = arith.index_cast %get3A_98 : i32 to index
    %get3A_100 = arith.constant 112 : index
    %get3A_101 = tpu.vector_load %arg5[%get3A_99, %get3A_100] {strides = array<i32>} : memref<200x128xi32, #tpu.memory_space<vmem>>, vector<1x16xi32>,
    %get3A_102 = vector.shape_cast %get3A_101 : vector<1x16xi32> to vector<16xi32>
    %shift_right_logical3A_103 = arith.constant 1 : i32
    %shift_right_logical3A_104 = vector.broadcast %shift_right_logical3A_103 : i32 to vector<16xi32>
    %shift_right_logical3A_105 = arith.shrui %get3A_102, %shift_right_logical3A_104 : vector<16xi32>
    %swap3A_106 = arith.constant 0 : i32
    %swap3A_107 = arith.index_cast %swap3A_106 : i32 to index
    %swap3A_108 = arith.constant 112 : index
    %swap3A_109 = tpu.vector_load %arg6[%swap3A_107, %swap3A_108] {strides = array<i32>} : memref<2x128xi32, #tpu.memory_space<vmem>>, vector<1x16xi32>,
    %swap3A_110 = vector.shape_cast %swap3A_109 : vector<1x16xi32> to vector<16xi32>
    %swap3A_111 = vector.shape_cast %shift_right_logical3A_105 : vector<16xi32> to vector<1x16xi32>
    tpu.vector_store %arg6[%swap3A_107, %swap3A_108], %swap3A_111 {strides = array<i32>} : memref<2x128xi32, #tpu.memory_space<vmem>>, vector<1x16xi32>,
    %dma_start3A = arith.constant 0 : i32
    %dma_start3A_112 = arith.constant 0 : i32
    %dma_start3A_113 = arith.constant 0 : i32
    %dma_start3A_114 = arith.constant 0 : i32
    %dma_start3A_115 = arith.constant 0 : i32
    %dma_start3A_116 = tpu.memref_slice %arg7[%dma_start3A_112, %dma_start3A_114, %dma_start3A_115] : memref<2x128x128xf32, #tpu.memory_space<vmem>> -> memref<1x128x128xf32, #tpu.memory_space<vmem>>
    %dma_start3A_117 = tpu.memref_squeeze %dma_start3A_116 : memref<1x128x128xf32, #tpu.memory_space<vmem>> -> memref<128x128xf32, #tpu.memory_space<vmem>>
    %dma_start3A_118 = arith.constant 0 : i32
    %dma_start3A_119 = tpu.memref_slice %arg6[%dma_start3A, %dma_start3A_118] : memref<2x128xi32, #tpu.memory_space<vmem>> -> memref<1x128xi32, #tpu.memory_space<vmem>>
    %dma_start3A_120 = tpu.memref_squeeze %dma_start3A_119 : memref<1x128xi32, #tpu.memory_space<vmem>> -> memref<128xi32, #tpu.memory_space<vmem>>
    %dma_start3A_121 = arith.constant 0 : i32
    %dma_start3A_122 = arith.constant 0 : i32
    %dma_start3A_123 = tpu.memref_slice %arg3[%dma_start3A_121, %dma_start3A_122] : memref<500000x128xf32, #tpu.memory_space<hbm>> -> memref<500000x128xf32, #tpu.memory_space<hbm>>
    %dma_start3A_124 = tpu.memref_slice %arg9[%dma_start3A_113] : memref<2x!tpu.dma_semaphore, #tpu.memory_space<semaphore_mem>> -> memref<1x!tpu.dma_semaphore, #tpu.memory_space<semaphore_mem>>
    %dma_start3A_125 = tpu.memref_squeeze %dma_start3A_124 : memref<1x!tpu.dma_semaphore, #tpu.memory_space<semaphore_mem>> -> memref<!tpu.dma_semaphore, #tpu.memory_space<semaphore_mem>>
    tpu.enqueue_indirect_dma source(%dma_start3A_123 : memref<500000x128xf32, #tpu.memory_space<hbm>>) target(%dma_start3A_117 : memref<128x128xf32, #tpu.memory_space<vmem>>) offsets(%dma_start3A_120 : memref<128xi32, #tpu.memory_space<vmem>>) semaphore(%dma_start3A_125 : memref<!tpu.dma_semaphore, #tpu.memory_space<semaphore_mem>>)
    %scan3A = arith.constant 0 : i32
    %scan3A_126 = arith.constant 100 : i32
    %scan3A_127 = arith.addi %scan3A, %scan3A_126 : i32
    %scan3A_128 = arith.constant 1 : i32
    scf.for %scan3A_165 = %scan3A to %scan3A_127 step %scan3A_128  : i32 {
      %mul3A_166 = arith.constant 2 : i32
      %mul3A_167 = arith.muli %scan3A_165, %mul3A_166 : i32
      %add3A_168 = arith.constant 0 : i32
      %add3A_169 = arith.addi %add3A_168, %mul3A_167 : i32
      %add3A_170 = arith.constant 0 : i32
      %add3A_171 = arith.addi %add3A_169, %add3A_170 : i32
      %dma_wait3A_172 = arith.constant 0 : i32
      %dma_wait3A_173 = arith.constant 0 : i32
      %dma_wait3A_174 = arith.constant 0 : i32
      %dma_wait3A_175 = arith.constant 0 : i32
      %dma_wait3A_176 = arith.constant 0 : i32
      %dma_wait3A_177 = tpu.memref_slice %arg7[%dma_wait3A_173, %dma_wait3A_175, %dma_wait3A_176] : memref<2x128x128xf32, #tpu.memory_space<vmem>> -> memref<1x128x128xf32, #tpu.memory_space<vmem>>
      %dma_wait3A_178 = tpu.memref_squeeze %dma_wait3A_177 : memref<1x128x128xf32, #tpu.memory_space<vmem>> -> memref<128x128xf32, #tpu.memory_space<vmem>>
      %dma_wait3A_179 = arith.constant 0 : i32
      %dma_wait3A_180 = tpu.memref_slice %arg6[%dma_wait3A_172, %dma_wait3A_179] : memref<2x128xi32, #tpu.memory_space<vmem>> -> memref<1x128xi32, #tpu.memory_space<vmem>>
      %dma_wait3A_181 = tpu.memref_squeeze %dma_wait3A_180 : memref<1x128xi32, #tpu.memory_space<vmem>> -> memref<128xi32, #tpu.memory_space<vmem>>
      %dma_wait3A_182 = arith.constant 0 : i32
      %dma_wait3A_183 = arith.constant 0 : i32
      %dma_wait3A_184 = tpu.memref_slice %arg3[%dma_wait3A_182, %dma_wait3A_183] : memref<500000x128xf32, #tpu.memory_space<hbm>> -> memref<500000x128xf32, #tpu.memory_space<hbm>>
      %dma_wait3A_185 = tpu.memref_slice %arg9[%dma_wait3A_174] : memref<2x!tpu.dma_semaphore, #tpu.memory_space<semaphore_mem>> -> memref<1x!tpu.dma_semaphore, #tpu.memory_space<semaphore_mem>>
      %dma_wait3A_186 = tpu.memref_squeeze %dma_wait3A_185 : memref<1x!tpu.dma_semaphore, #tpu.memory_space<semaphore_mem>> -> memref<!tpu.dma_semaphore, #tpu.memory_space<semaphore_mem>>
      tpu.wait_indirect_dma semaphore(%dma_wait3A_186 : memref<!tpu.dma_semaphore, #tpu.memory_space<semaphore_mem>>) src(%dma_wait3A_184 : memref<500000x128xf32, #tpu.memory_space<hbm>>) dst(%dma_wait3A_178 : memref<128x128xf32, #tpu.memory_space<vmem>>)
      %add3A_187 = arith.constant 1 : i32
      %add3A_188 = arith.addi %add3A_171, %add3A_187 : i32
      %lt3A = arith.constant 200 : i32
      %lt3A_189 = arith.cmpi slt, %add3A_188, %lt3A : i32
      %convert_element_type3A = arith.extui %lt3A_189 : i1 to i32
      %cond3A = arith.constant 0 : i32
      %cond3A_190 = arith.cmpi ne, %convert_element_type3A, %cond3A : i32
      scf.if %cond3A_190 {
        %add3A_276 = arith.constant 1 : i32
        %add3A_277 = arith.addi %add3A_171, %add3A_276 : i32
        %get3A_278 = arith.index_cast %add3A_277 : i32 to index
        %get3A_279 = arith.constant 0 : index
        %get3A_280 = tpu.vector_load %arg5[%get3A_278, %get3A_279] {strides = array<i32>} : memref<200x128xi32, #tpu.memory_space<vmem>>, vector<1x16xi32>,
        %get3A_281 = vector.shape_cast %get3A_280 : vector<1x16xi32> to vector<16xi32>
        %shift_right_logical3A_282 = arith.constant 1 : i32
        %shift_right_logical3A_283 = vector.broadcast %shift_right_logical3A_282 : i32 to vector<16xi32>
        %shift_right_logical3A_284 = arith.shrui %get3A_281, %shift_right_logical3A_283 : vector<16xi32>
        %swap3A_285 = arith.constant 1 : i32
        %swap3A_286 = arith.index_cast %swap3A_285 : i32 to index
        %swap3A_287 = arith.constant 0 : index
        %swap3A_288 = tpu.vector_load %arg6[%swap3A_286, %swap3A_287] {strides = array<i32>} : memref<2x128xi32, #tpu.memory_space<vmem>>, vector<1x16xi32>,
        %swap3A_289 = vector.shape_cast %swap3A_288 : vector<1x16xi32> to vector<16xi32>
        %swap3A_290 = vector.shape_cast %shift_right_logical3A_284 : vector<16xi32> to vector<1x16xi32>
        tpu.vector_store %arg6[%swap3A_286, %swap3A_287], %swap3A_290 {strides = array<i32>} : memref<2x128xi32, #tpu.memory_space<vmem>>, vector<1x16xi32>,
        %get3A_291 = arith.index_cast %add3A_277 : i32 to index
        %get3A_292 = arith.constant 16 : index
        %get3A_293 = tpu.vector_load %arg5[%get3A_291, %get3A_292] {strides = array<i32>} : memref<200x128xi32, #tpu.memory_space<vmem>>, vector<1x16xi32>,
        %get3A_294 = vector.shape_cast %get3A_293 : vector<1x16xi32> to vector<16xi32>
        %shift_right_logical3A_295 = arith.constant 1 : i32
        %shift_right_logical3A_296 = vector.broadcast %shift_right_logical3A_295 : i32 to vector<16xi32>
        %shift_right_logical3A_297 = arith.shrui %get3A_294, %shift_right_logical3A_296 : vector<16xi32>
        %swap3A_298 = arith.constant 1 : i32
        %swap3A_299 = arith.index_cast %swap3A_298 : i32 to index
        %swap3A_300 = arith.constant 16 : index
        %swap3A_301 = tpu.vector_load %arg6[%swap3A_299, %swap3A_300] {strides = array<i32>} : memref<2x128xi32, #tpu.memory_space<vmem>>, vector<1x16xi32>,
        %swap3A_302 = vector.shape_cast %swap3A_301 : vector<1x16xi32> to vector<16xi32>
        %swap3A_303 = vector.shape_cast %shift_right_logical3A_297 : vector<16xi32> to vector<1x16xi32>
        tpu.vector_store %arg6[%swap3A_299, %swap3A_300], %swap3A_303 {strides = array<i32>} : memref<2x128xi32, #tpu.memory_space<vmem>>, vector<1x16xi32>,
        %get3A_304 = arith.index_cast %add3A_277 : i32 to index
        %get3A_305 = arith.constant 32 : index
        %get3A_306 = tpu.vector_load %arg5[%get3A_304, %get3A_305] {strides = array<i32>} : memref<200x128xi32, #tpu.memory_space<vmem>>, vector<1x16xi32>,
        %get3A_307 = vector.shape_cast %get3A_306 : vector<1x16xi32> to vector<16xi32>
        %shift_right_logical3A_308 = arith.constant 1 : i32
        %shift_right_logical3A_309 = vector.broadcast %shift_right_logical3A_308 : i32 to vector<16xi32>
        %shift_right_logical3A_310 = arith.shrui %get3A_307, %shift_right_logical3A_309 : vector<16xi32>
        %swap3A_311 = arith.constant 1 : i32
        %swap3A_312 = arith.index_cast %swap3A_311 : i32 to index
        %swap3A_313 = arith.constant 32 : index
        %swap3A_314 = tpu.vector_load %arg6[%swap3A_312, %swap3A_313] {strides = array<i32>} : memref<2x128xi32, #tpu.memory_space<vmem>>, vector<1x16xi32>,
        %swap3A_315 = vector.shape_cast %swap3A_314 : vector<1x16xi32> to vector<16xi32>
        %swap3A_316 = vector.shape_cast %shift_right_logical3A_310 : vector<16xi32> to vector<1x16xi32>
        tpu.vector_store %arg6[%swap3A_312, %swap3A_313], %swap3A_316 {strides = array<i32>} : memref<2x128xi32, #tpu.memory_space<vmem>>, vector<1x16xi32>,
        %get3A_317 = arith.index_cast %add3A_277 : i32 to index
        %get3A_318 = arith.constant 48 : index
        %get3A_319 = tpu.vector_load %arg5[%get3A_317, %get3A_318] {strides = array<i32>} : memref<200x128xi32, #tpu.memory_space<vmem>>, vector<1x16xi32>,
        %get3A_320 = vector.shape_cast %get3A_319 : vector<1x16xi32> to vector<16xi32>
        %shift_right_logical3A_321 = arith.constant 1 : i32
        %shift_right_logical3A_322 = vector.broadcast %shift_right_logical3A_321 : i32 to vector<16xi32>
        %shift_right_logical3A_323 = arith.shrui %get3A_320, %shift_right_logical3A_322 : vector<16xi32>
        %swap3A_324 = arith.constant 1 : i32
        %swap3A_325 = arith.index_cast %swap3A_324 : i32 to index
        %swap3A_326 = arith.constant 48 : index
        %swap3A_327 = tpu.vector_load %arg6[%swap3A_325, %swap3A_326] {strides = array<i32>} : memref<2x128xi32, #tpu.memory_space<vmem>>, vector<1x16xi32>,
        %swap3A_328 = vector.shape_cast %swap3A_327 : vector<1x16xi32> to vector<16xi32>
        %swap3A_329 = vector.shape_cast %shift_right_logical3A_323 : vector<16xi32> to vector<1x16xi32>
        tpu.vector_store %arg6[%swap3A_325, %swap3A_326], %swap3A_329 {strides = array<i32>} : memref<2x128xi32, #tpu.memory_space<vmem>>, vector<1x16xi32>,
        %get3A_330 = arith.index_cast %add3A_277 : i32 to index
        %get3A_331 = arith.constant 64 : index
        %get3A_332 = tpu.vector_load %arg5[%get3A_330, %get3A_331] {strides = array<i32>} : memref<200x128xi32, #tpu.memory_space<vmem>>, vector<1x16xi32>,
        %get3A_333 = vector.shape_cast %get3A_332 : vector<1x16xi32> to vector<16xi32>
        %shift_right_logical3A_334 = arith.constant 1 : i32
        %shift_right_logical3A_335 = vector.broadcast %shift_right_logical3A_334 : i32 to vector<16xi32>
        %shift_right_logical3A_336 = arith.shrui %get3A_333, %shift_right_logical3A_335 : vector<16xi32>
        %swap3A_337 = arith.constant 1 : i32
        %swap3A_338 = arith.index_cast %swap3A_337 : i32 to index
        %swap3A_339 = arith.constant 64 : index
        %swap3A_340 = tpu.vector_load %arg6[%swap3A_338, %swap3A_339] {strides = array<i32>} : memref<2x128xi32, #tpu.memory_space<vmem>>, vector<1x16xi32>,
        %swap3A_341 = vector.shape_cast %swap3A_340 : vector<1x16xi32> to vector<16xi32>
        %swap3A_342 = vector.shape_cast %shift_right_logical3A_336 : vector<16xi32> to vector<1x16xi32>
        tpu.vector_store %arg6[%swap3A_338, %swap3A_339], %swap3A_342 {strides = array<i32>} : memref<2x128xi32, #tpu.memory_space<vmem>>, vector<1x16xi32>,
        %get3A_343 = arith.index_cast %add3A_277 : i32 to index
        %get3A_344 = arith.constant 80 : index
        %get3A_345 = tpu.vector_load %arg5[%get3A_343, %get3A_344] {strides = array<i32>} : memref<200x128xi32, #tpu.memory_space<vmem>>, vector<1x16xi32>,
        %get3A_346 = vector.shape_cast %get3A_345 : vector<1x16xi32> to vector<16xi32>
        %shift_right_logical3A_347 = arith.constant 1 : i32
        %shift_right_logical3A_348 = vector.broadcast %shift_right_logical3A_347 : i32 to vector<16xi32>
        %shift_right_logical3A_349 = arith.shrui %get3A_346, %shift_right_logical3A_348 : vector<16xi32>
        %swap3A_350 = arith.constant 1 : i32
        %swap3A_351 = arith.index_cast %swap3A_350 : i32 to index
        %swap3A_352 = arith.constant 80 : index
        %swap3A_353 = tpu.vector_load %arg6[%swap3A_351, %swap3A_352] {strides = array<i32>} : memref<2x128xi32, #tpu.memory_space<vmem>>, vector<1x16xi32>,
        %swap3A_354 = vector.shape_cast %swap3A_353 : vector<1x16xi32> to vector<16xi32>
        %swap3A_355 = vector.shape_cast %shift_right_logical3A_349 : vector<16xi32> to vector<1x16xi32>
        tpu.vector_store %arg6[%swap3A_351, %swap3A_352], %swap3A_355 {strides = array<i32>} : memref<2x128xi32, #tpu.memory_space<vmem>>, vector<1x16xi32>,
        %get3A_356 = arith.index_cast %add3A_277 : i32 to index
        %get3A_357 = arith.constant 96 : index
        %get3A_358 = tpu.vector_load %arg5[%get3A_356, %get3A_357] {strides = array<i32>} : memref<200x128xi32, #tpu.memory_space<vmem>>, vector<1x16xi32>,
        %get3A_359 = vector.shape_cast %get3A_358 : vector<1x16xi32> to vector<16xi32>
        %shift_right_logical3A_360 = arith.constant 1 : i32
        %shift_right_logical3A_361 = vector.broadcast %shift_right_logical3A_360 : i32 to vector<16xi32>
        %shift_right_logical3A_362 = arith.shrui %get3A_359, %shift_right_logical3A_361 : vector<16xi32>
        %swap3A_363 = arith.constant 1 : i32
        %swap3A_364 = arith.index_cast %swap3A_363 : i32 to index
        %swap3A_365 = arith.constant 96 : index
        %swap3A_366 = tpu.vector_load %arg6[%swap3A_364, %swap3A_365] {strides = array<i32>} : memref<2x128xi32, #tpu.memory_space<vmem>>, vector<1x16xi32>,
        %swap3A_367 = vector.shape_cast %swap3A_366 : vector<1x16xi32> to vector<16xi32>
        %swap3A_368 = vector.shape_cast %shift_right_logical3A_362 : vector<16xi32> to vector<1x16xi32>
        tpu.vector_store %arg6[%swap3A_364, %swap3A_365], %swap3A_368 {strides = array<i32>} : memref<2x128xi32, #tpu.memory_space<vmem>>, vector<1x16xi32>,
        %get3A_369 = arith.index_cast %add3A_277 : i32 to index
        %get3A_370 = arith.constant 112 : index
        %get3A_371 = tpu.vector_load %arg5[%get3A_369, %get3A_370] {strides = array<i32>} : memref<200x128xi32, #tpu.memory_space<vmem>>, vector<1x16xi32>,
        %get3A_372 = vector.shape_cast %get3A_371 : vector<1x16xi32> to vector<16xi32>
        %shift_right_logical3A_373 = arith.constant 1 : i32
        %shift_right_logical3A_374 = vector.broadcast %shift_right_logical3A_373 : i32 to vector<16xi32>
        %shift_right_logical3A_375 = arith.shrui %get3A_372, %shift_right_logical3A_374 : vector<16xi32>
        %swap3A_376 = arith.constant 1 : i32
        %swap3A_377 = arith.index_cast %swap3A_376 : i32 to index
        %swap3A_378 = arith.constant 112 : index
        %swap3A_379 = tpu.vector_load %arg6[%swap3A_377, %swap3A_378] {strides = array<i32>} : memref<2x128xi32, #tpu.memory_space<vmem>>, vector<1x16xi32>,
        %swap3A_380 = vector.shape_cast %swap3A_379 : vector<1x16xi32> to vector<16xi32>
        %swap3A_381 = vector.shape_cast %shift_right_logical3A_375 : vector<16xi32> to vector<1x16xi32>
        tpu.vector_store %arg6[%swap3A_377, %swap3A_378], %swap3A_381 {strides = array<i32>} : memref<2x128xi32, #tpu.memory_space<vmem>>, vector<1x16xi32>,
        %dma_start3A_382 = arith.constant 1 : i32
        %dma_start3A_383 = arith.constant 1 : i32
        %dma_start3A_384 = arith.constant 1 : i32
        %dma_start3A_385 = arith.constant 0 : i32
        %dma_start3A_386 = arith.constant 0 : i32
        %dma_start3A_387 = tpu.memref_slice %arg7[%dma_start3A_383, %dma_start3A_385, %dma_start3A_386] : memref<2x128x128xf32, #tpu.memory_space<vmem>> -> memref<1x128x128xf32, #tpu.memory_space<vmem>>
        %dma_start3A_388 = tpu.memref_squeeze %dma_start3A_387 : memref<1x128x128xf32, #tpu.memory_space<vmem>> -> memref<128x128xf32, #tpu.memory_space<vmem>>
        %dma_start3A_389 = arith.constant 0 : i32
        %dma_start3A_390 = tpu.memref_slice %arg6[%dma_start3A_382, %dma_start3A_389] : memref<2x128xi32, #tpu.memory_space<vmem>> -> memref<1x128xi32, #tpu.memory_space<vmem>>
        %dma_start3A_391 = tpu.memref_squeeze %dma_start3A_390 : memref<1x128xi32, #tpu.memory_space<vmem>> -> memref<128xi32, #tpu.memory_space<vmem>>
        %dma_start3A_392 = arith.constant 0 : i32
        %dma_start3A_393 = arith.constant 0 : i32
        %dma_start3A_394 = tpu.memref_slice %arg3[%dma_start3A_392, %dma_start3A_393] : memref<500000x128xf32, #tpu.memory_space<hbm>> -> memref<500000x128xf32, #tpu.memory_space<hbm>>
        %dma_start3A_395 = tpu.memref_slice %arg9[%dma_start3A_384] : memref<2x!tpu.dma_semaphore, #tpu.memory_space<semaphore_mem>> -> memref<1x!tpu.dma_semaphore, #tpu.memory_space<semaphore_mem>>
        %dma_start3A_396 = tpu.memref_squeeze %dma_start3A_395 : memref<1x!tpu.dma_semaphore, #tpu.memory_space<semaphore_mem>> -> memref<!tpu.dma_semaphore, #tpu.memory_space<semaphore_mem>>
        tpu.enqueue_indirect_dma source(%dma_start3A_394 : memref<500000x128xf32, #tpu.memory_space<hbm>>) target(%dma_start3A_388 : memref<128x128xf32, #tpu.memory_space<vmem>>) offsets(%dma_start3A_391 : memref<128xi32, #tpu.memory_space<vmem>>) semaphore(%dma_start3A_396 : memref<!tpu.dma_semaphore, #tpu.memory_space<semaphore_mem>>)
      } else {
      }
      %ge3A = arith.constant 2 : i32
      %ge3A_191 = arith.cmpi sge, %add3A_171, %ge3A : i32
      %convert_element_type3A_192 = arith.extui %ge3A_191 : i1 to i32
      %cond3A_193 = arith.constant 0 : i32
      %cond3A_194 = arith.cmpi ne, %convert_element_type3A_192, %cond3A_193 : i32
      scf.if %cond3A_194 {
        %dma_wait3A_276 = arith.constant 0 : i32
        %dma_wait3A_277 = arith.constant 0 : i32
        %dma_wait3A_278 = arith.constant 0 : i32
        %dma_wait3A_279 = arith.constant 0 : i32
        %dma_wait3A_280 = tpu.memref_slice %arg8[%dma_wait3A_276, %dma_wait3A_278, %dma_wait3A_279] : memref<2x128x64xf32, #tpu.memory_space<vmem>> -> memref<1x128x64xf32, #tpu.memory_space<vmem>>
        %dma_wait3A_281 = tpu.memref_squeeze %dma_wait3A_280 : memref<1x128x64xf32, #tpu.memory_space<vmem>> -> memref<128x64xf32, #tpu.memory_space<vmem>>
        %dma_wait3A_282 = arith.constant 0 : i32
        %dma_wait3A_283 = arith.constant 0 : i32
        %dma_wait3A_284 = tpu.memref_slice %arg4[%dma_wait3A_282, %dma_wait3A_283] : memref<819200x64xf32, #tpu.memory_space<hbm>> -> memref<128x64xf32, #tpu.memory_space<hbm>>
        %dma_wait3A_285 = tpu.memref_slice %arg10[%dma_wait3A_277] : memref<2x!tpu.dma_semaphore, #tpu.memory_space<semaphore_mem>> -> memref<1x!tpu.dma_semaphore, #tpu.memory_space<semaphore_mem>>
        %dma_wait3A_286 = tpu.memref_squeeze %dma_wait3A_285 : memref<1x!tpu.dma_semaphore, #tpu.memory_space<semaphore_mem>> -> memref<!tpu.dma_semaphore, #tpu.memory_space<semaphore_mem>>
        %dma_wait3A_287 = arith.constant 0 : i32
        %dma_wait3A_288 = arith.constant 0 : i32
        %dma_wait3A_289 = tpu.memref_slice %arg4[%dma_wait3A_287, %dma_wait3A_288] : memref<819200x64xf32, #tpu.memory_space<hbm>> -> memref<128x64xf32, #tpu.memory_space<hbm>>
        %dma_wait3A_290 = arith.constant 0 : i32
        %dma_wait3A_291 = arith.constant 0 : i32
        %dma_wait3A_292 = tpu.memref_slice %arg8[%dma_wait3A_276, %dma_wait3A_290, %dma_wait3A_291] : memref<2x128x64xf32, #tpu.memory_space<vmem>> -> memref<1x128x64xf32, #tpu.memory_space<vmem>>
        %dma_wait3A_293 = tpu.memref_squeeze %dma_wait3A_292 : memref<1x128x64xf32, #tpu.memory_space<vmem>> -> memref<128x64xf32, #tpu.memory_space<vmem>>
        tpu.wait_dma2 semaphore(%dma_wait3A_286 : memref<!tpu.dma_semaphore, #tpu.memory_space<semaphore_mem>>) src(%dma_wait3A_293 : memref<128x64xf32, #tpu.memory_space<vmem>>) dst(%dma_wait3A_289 : memref<128x64xf32, #tpu.memory_space<hbm>>)
      } else {
      }
      %scan3A_195 = arith.constant 0 : i32
      %scan3A_196 = arith.constant 0 : i32
      %scan3A_197 = arith.constant 0 : i32
      %scan3A_198 = arith.constant 128 : i32
      %scan3A_199 = arith.addi %scan3A_197, %scan3A_198 : i32
      %scan3A_200 = arith.constant 1 : i32
      scf.for %scan3A_276 = %scan3A_197 to %scan3A_199 step %scan3A_200  : i32 {
        %mul3A_277 = arith.constant 1 : i32
        %mul3A_278 = arith.muli %scan3A_276, %mul3A_277 : i32
        %add3A_279 = arith.constant 0 : i32
        %add3A_280 = arith.addi %add3A_279, %mul3A_278 : i32
        %div3A = arith.constant 16 : i32
        %div3A_281 = arith.divsi %add3A_280, %div3A : i32
        %mul3A_282 = arith.constant 16 : i32
        %mul3A_283 = arith.muli %div3A_281, %mul3A_282 : i32
        %rem3A = arith.constant 16 : i32
        %rem3A_284 = arith.remsi %add3A_280, %rem3A : i32
        %get3A_285 = arith.index_cast %add3A_171 : i32 to index
        %get3A_286 = arith.index_cast %mul3A_283 : i32 to index
        %get3A_287 = tpu.vector_load %arg5[%get3A_285, %get3A_286] {strides = array<i32>} : memref<200x128xi32, #tpu.memory_space<vmem>>, vector<1x16xi32>,
        %get3A_288 = vector.shape_cast %get3A_287 : vector<1x16xi32> to vector<16xi32>
        %and3A = arith.constant 1 : i32
        %and3A_289 = vector.broadcast %and3A : i32 to vector<16xi32>
        %and3A_290 = arith.andi %get3A_288, %and3A_289 : vector<16xi32>
        %convert_element_type3A_291 = arith.sitofp %and3A_290 : vector<16xi32> to vector<16xf32>
        %broadcast_in_dim3A = vector.broadcast %rem3A_284 : i32 to vector<16xi32>
        %lt3A_292 = arith.constant 0 : i32
        %lt3A_293 = vector.broadcast %lt3A_292 : i32 to vector<16xi32>
        %lt3A_294 = arith.cmpi slt, %broadcast_in_dim3A, %lt3A_293 : vector<16xi32>
        %add3A_295 = arith.constant 16 : i32
        %add3A_296 = vector.broadcast %add3A_295 : i32 to vector<16xi32>
        %add3A_297 = arith.addi %broadcast_in_dim3A, %add3A_296 : vector<16xi32>
        %select_n3A = arith.select %lt3A_294, %add3A_297, %broadcast_in_dim3A : vector<16xi1>, vector<16xi32>
        %broadcast_in_dim3A_298 = vector.shape_cast %select_n3A : vector<16xi32> to vector<16x1xi32>
        %gather3A = vector.shape_cast %broadcast_in_dim3A_298 : vector<16x1xi32> to vector<16xi32>
        %gather3A_299 = tpu.dynamic_gather %convert_element_type3A_291[%gather3A] in [0] : vector<16xf32>, vector<16xi32> -> vector<16xf32>
        %get3A_300 = arith.constant 0 : i32
        %get3A_301 = arith.constant 0 : i32
        %get3A_302 = tpu.memref_slice %arg7[%scan3A_195, %get3A_300, %get3A_301] : memref<2x128x128xf32, #tpu.memory_space<vmem>> -> memref<1x128x128xf32, #tpu.memory_space<vmem>>
        %get3A_303 = tpu.memref_squeeze %get3A_302 : memref<1x128x128xf32, #tpu.memory_space<vmem>> -> memref<128x128xf32, #tpu.memory_space<vmem>>
        %get3A_304 = arith.index_cast %add3A_280 : i32 to index
        %get3A_305 = arith.constant 0 : index
        %get3A_306 = tpu.vector_load %get3A_303[%get3A_304, %get3A_305] {strides = array<i32>} : memref<128x128xf32, #tpu.memory_space<vmem>>, vector<1x16xf32>,
        %get3A_307 = vector.shape_cast %get3A_306 : vector<1x16xf32> to vector<16xf32>
        %get3A_308 = arith.constant 0 : i32
        %get3A_309 = arith.constant 0 : i32
        %get3A_310 = tpu.memref_slice %arg7[%scan3A_195, %get3A_308, %get3A_309] : memref<2x128x128xf32, #tpu.memory_space<vmem>> -> memref<1x128x128xf32, #tpu.memory_space<vmem>>
        %get3A_311 = tpu.memref_squeeze %get3A_310 : memref<1x128x128xf32, #tpu.memory_space<vmem>> -> memref<128x128xf32, #tpu.memory_space<vmem>>
        %get3A_312 = arith.index_cast %add3A_280 : i32 to index
        %get3A_313 = arith.constant 64 : index
        %get3A_314 = tpu.vector_load %get3A_311[%get3A_312, %get3A_313] {strides = array<i32>} : memref<128x128xf32, #tpu.memory_space<vmem>>, vector<1x16xf32>,
        %get3A_315 = vector.shape_cast %get3A_314 : vector<1x16xf32> to vector<16xf32>
        %sub3A = arith.subf %get3A_315, %get3A_307 : vector<16xf32>
        %mul3A_316 = arith.mulf %gather3A_299, %sub3A : vector<16xf32>
        %add3A_317 = arith.addf %get3A_307, %mul3A_316 : vector<16xf32>
        %swap3A_318 = arith.constant 0 : i32
        %swap3A_319 = arith.constant 0 : i32
        %swap3A_320 = tpu.memref_slice %arg8[%scan3A_196, %swap3A_318, %swap3A_319] : memref<2x128x64xf32, #tpu.memory_space<vmem>> -> memref<1x128x64xf32, #tpu.memory_space<vmem>>
        %swap3A_321 = tpu.memref_squeeze %swap3A_320 : memref<1x128x64xf32, #tpu.memory_space<vmem>> -> memref<128x64xf32, #tpu.memory_space<vmem>>
        %swap3A_322 = arith.index_cast %add3A_280 : i32 to index
        %swap3A_323 = arith.constant 0 : index
        %swap3A_324 = tpu.vector_load %swap3A_321[%swap3A_322, %swap3A_323] {strides = array<i32>} : memref<128x64xf32, #tpu.memory_space<vmem>>, vector<1x16xf32>,
        %swap3A_325 = vector.shape_cast %swap3A_324 : vector<1x16xf32> to vector<16xf32>
        %swap3A_326 = vector.shape_cast %add3A_317 : vector<16xf32> to vector<1x16xf32>
        tpu.vector_store %swap3A_321[%swap3A_322, %swap3A_323], %swap3A_326 {strides = array<i32>} : memref<128x64xf32, #tpu.memory_space<vmem>>, vector<1x16xf32>,
        %get3A_327 = arith.constant 0 : i32
        %get3A_328 = arith.constant 0 : i32
        %get3A_329 = tpu.memref_slice %arg7[%scan3A_195, %get3A_327, %get3A_328] : memref<2x128x128xf32, #tpu.memory_space<vmem>> -> memref<1x128x128xf32, #tpu.memory_space<vmem>>
        %get3A_330 = tpu.memref_squeeze %get3A_329 : memref<1x128x128xf32, #tpu.memory_space<vmem>> -> memref<128x128xf32, #tpu.memory_space<vmem>>
        %get3A_331 = arith.index_cast %add3A_280 : i32 to index
        %get3A_332 = arith.constant 16 : index
        %get3A_333 = tpu.vector_load %get3A_330[%get3A_331, %get3A_332] {strides = array<i32>} : memref<128x128xf32, #tpu.memory_space<vmem>>, vector<1x16xf32>,
        %get3A_334 = vector.shape_cast %get3A_333 : vector<1x16xf32> to vector<16xf32>
        %get3A_335 = arith.constant 0 : i32
        %get3A_336 = arith.constant 0 : i32
        %get3A_337 = tpu.memref_slice %arg7[%scan3A_195, %get3A_335, %get3A_336] : memref<2x128x128xf32, #tpu.memory_space<vmem>> -> memref<1x128x128xf32, #tpu.memory_space<vmem>>
        %get3A_338 = tpu.memref_squeeze %get3A_337 : memref<1x128x128xf32, #tpu.memory_space<vmem>> -> memref<128x128xf32, #tpu.memory_space<vmem>>
        %get3A_339 = arith.index_cast %add3A_280 : i32 to index
        %get3A_340 = arith.constant 80 : index
        %get3A_341 = tpu.vector_load %get3A_338[%get3A_339, %get3A_340] {strides = array<i32>} : memref<128x128xf32, #tpu.memory_space<vmem>>, vector<1x16xf32>,
        %get3A_342 = vector.shape_cast %get3A_341 : vector<1x16xf32> to vector<16xf32>
        %sub3A_343 = arith.subf %get3A_342, %get3A_334 : vector<16xf32>
        %mul3A_344 = arith.mulf %gather3A_299, %sub3A_343 : vector<16xf32>
        %add3A_345 = arith.addf %get3A_334, %mul3A_344 : vector<16xf32>
        %swap3A_346 = arith.constant 0 : i32
        %swap3A_347 = arith.constant 0 : i32
        %swap3A_348 = tpu.memref_slice %arg8[%scan3A_196, %swap3A_346, %swap3A_347] : memref<2x128x64xf32, #tpu.memory_space<vmem>> -> memref<1x128x64xf32, #tpu.memory_space<vmem>>
        %swap3A_349 = tpu.memref_squeeze %swap3A_348 : memref<1x128x64xf32, #tpu.memory_space<vmem>> -> memref<128x64xf32, #tpu.memory_space<vmem>>
        %swap3A_350 = arith.index_cast %add3A_280 : i32 to index
        %swap3A_351 = arith.constant 16 : index
        %swap3A_352 = tpu.vector_load %swap3A_349[%swap3A_350, %swap3A_351] {strides = array<i32>} : memref<128x64xf32, #tpu.memory_space<vmem>>, vector<1x16xf32>,
        %swap3A_353 = vector.shape_cast %swap3A_352 : vector<1x16xf32> to vector<16xf32>
        %swap3A_354 = vector.shape_cast %add3A_345 : vector<16xf32> to vector<1x16xf32>
        tpu.vector_store %swap3A_349[%swap3A_350, %swap3A_351], %swap3A_354 {strides = array<i32>} : memref<128x64xf32, #tpu.memory_space<vmem>>, vector<1x16xf32>,
        %get3A_355 = arith.constant 0 : i32
        %get3A_356 = arith.constant 0 : i32
        %get3A_357 = tpu.memref_slice %arg7[%scan3A_195, %get3A_355, %get3A_356] : memref<2x128x128xf32, #tpu.memory_space<vmem>> -> memref<1x128x128xf32, #tpu.memory_space<vmem>>
        %get3A_358 = tpu.memref_squeeze %get3A_357 : memref<1x128x128xf32, #tpu.memory_space<vmem>> -> memref<128x128xf32, #tpu.memory_space<vmem>>
        %get3A_359 = arith.index_cast %add3A_280 : i32 to index
        %get3A_360 = arith.constant 32 : index
        %get3A_361 = tpu.vector_load %get3A_358[%get3A_359, %get3A_360] {strides = array<i32>} : memref<128x128xf32, #tpu.memory_space<vmem>>, vector<1x16xf32>,
        %get3A_362 = vector.shape_cast %get3A_361 : vector<1x16xf32> to vector<16xf32>
        %get3A_363 = arith.constant 0 : i32
        %get3A_364 = arith.constant 0 : i32
        %get3A_365 = tpu.memref_slice %arg7[%scan3A_195, %get3A_363, %get3A_364] : memref<2x128x128xf32, #tpu.memory_space<vmem>> -> memref<1x128x128xf32, #tpu.memory_space<vmem>>
        %get3A_366 = tpu.memref_squeeze %get3A_365 : memref<1x128x128xf32, #tpu.memory_space<vmem>> -> memref<128x128xf32, #tpu.memory_space<vmem>>
        %get3A_367 = arith.index_cast %add3A_280 : i32 to index
        %get3A_368 = arith.constant 96 : index
        %get3A_369 = tpu.vector_load %get3A_366[%get3A_367, %get3A_368] {strides = array<i32>} : memref<128x128xf32, #tpu.memory_space<vmem>>, vector<1x16xf32>,
        %get3A_370 = vector.shape_cast %get3A_369 : vector<1x16xf32> to vector<16xf32>
        %sub3A_371 = arith.subf %get3A_370, %get3A_362 : vector<16xf32>
        %mul3A_372 = arith.mulf %gather3A_299, %sub3A_371 : vector<16xf32>
        %add3A_373 = arith.addf %get3A_362, %mul3A_372 : vector<16xf32>
        %swap3A_374 = arith.constant 0 : i32
        %swap3A_375 = arith.constant 0 : i32
        %swap3A_376 = tpu.memref_slice %arg8[%scan3A_196, %swap3A_374, %swap3A_375] : memref<2x128x64xf32, #tpu.memory_space<vmem>> -> memref<1x128x64xf32, #tpu.memory_space<vmem>>
        %swap3A_377 = tpu.memref_squeeze %swap3A_376 : memref<1x128x64xf32, #tpu.memory_space<vmem>> -> memref<128x64xf32, #tpu.memory_space<vmem>>
        %swap3A_378 = arith.index_cast %add3A_280 : i32 to index
        %swap3A_379 = arith.constant 32 : index
        %swap3A_380 = tpu.vector_load %swap3A_377[%swap3A_378, %swap3A_379] {strides = array<i32>} : memref<128x64xf32, #tpu.memory_space<vmem>>, vector<1x16xf32>,
        %swap3A_381 = vector.shape_cast %swap3A_380 : vector<1x16xf32> to vector<16xf32>
        %swap3A_382 = vector.shape_cast %add3A_373 : vector<16xf32> to vector<1x16xf32>
        tpu.vector_store %swap3A_377[%swap3A_378, %swap3A_379], %swap3A_382 {strides = array<i32>} : memref<128x64xf32, #tpu.memory_space<vmem>>, vector<1x16xf32>,
        %get3A_383 = arith.constant 0 : i32
        %get3A_384 = arith.constant 0 : i32
        %get3A_385 = tpu.memref_slice %arg7[%scan3A_195, %get3A_383, %get3A_384] : memref<2x128x128xf32, #tpu.memory_space<vmem>> -> memref<1x128x128xf32, #tpu.memory_space<vmem>>
        %get3A_386 = tpu.memref_squeeze %get3A_385 : memref<1x128x128xf32, #tpu.memory_space<vmem>> -> memref<128x128xf32, #tpu.memory_space<vmem>>
        %get3A_387 = arith.index_cast %add3A_280 : i32 to index
        %get3A_388 = arith.constant 48 : index
        %get3A_389 = tpu.vector_load %get3A_386[%get3A_387, %get3A_388] {strides = array<i32>} : memref<128x128xf32, #tpu.memory_space<vmem>>, vector<1x16xf32>,
        %get3A_390 = vector.shape_cast %get3A_389 : vector<1x16xf32> to vector<16xf32>
        %get3A_391 = arith.constant 0 : i32
        %get3A_392 = arith.constant 0 : i32
        %get3A_393 = tpu.memref_slice %arg7[%scan3A_195, %get3A_391, %get3A_392] : memref<2x128x128xf32, #tpu.memory_space<vmem>> -> memref<1x128x128xf32, #tpu.memory_space<vmem>>
        %get3A_394 = tpu.memref_squeeze %get3A_393 : memref<1x128x128xf32, #tpu.memory_space<vmem>> -> memref<128x128xf32, #tpu.memory_space<vmem>>
        %get3A_395 = arith.index_cast %add3A_280 : i32 to index
        %get3A_396 = arith.constant 112 : index
        %get3A_397 = tpu.vector_load %get3A_394[%get3A_395, %get3A_396] {strides = array<i32>} : memref<128x128xf32, #tpu.memory_space<vmem>>, vector<1x16xf32>,
        %get3A_398 = vector.shape_cast %get3A_397 : vector<1x16xf32> to vector<16xf32>
        %sub3A_399 = arith.subf %get3A_398, %get3A_390 : vector<16xf32>
        %mul3A_400 = arith.mulf %gather3A_299, %sub3A_399 : vector<16xf32>
        %add3A_401 = arith.addf %get3A_390, %mul3A_400 : vector<16xf32>
        %swap3A_402 = arith.constant 0 : i32
        %swap3A_403 = arith.constant 0 : i32
        %swap3A_404 = tpu.memref_slice %arg8[%scan3A_196, %swap3A_402, %swap3A_403] : memref<2x128x64xf32, #tpu.memory_space<vmem>> -> memref<1x128x64xf32, #tpu.memory_space<vmem>>
        %swap3A_405 = tpu.memref_squeeze %swap3A_404 : memref<1x128x64xf32, #tpu.memory_space<vmem>> -> memref<128x64xf32, #tpu.memory_space<vmem>>
        %swap3A_406 = arith.index_cast %add3A_280 : i32 to index
        %swap3A_407 = arith.constant 48 : index
        %swap3A_408 = tpu.vector_load %swap3A_405[%swap3A_406, %swap3A_407] {strides = array<i32>} : memref<128x64xf32, #tpu.memory_space<vmem>>, vector<1x16xf32>,
        %swap3A_409 = vector.shape_cast %swap3A_408 : vector<1x16xf32> to vector<16xf32>
        %swap3A_410 = vector.shape_cast %add3A_401 : vector<16xf32> to vector<1x16xf32>
        tpu.vector_store %swap3A_405[%swap3A_406, %swap3A_407], %swap3A_410 {strides = array<i32>} : memref<128x64xf32, #tpu.memory_space<vmem>>, vector<1x16xf32>,
      }
      %scan3A_201 = arith.constant 128 : i32
      %add3A_202 = arith.addi %mul3A_2, %add3A_171 : i32
      %mul3A_203 = arith.constant 128 : i32
      %mul3A_204 = arith.muli %add3A_202, %mul3A_203 : i32
      %dma_start3A_205 = arith.constant 0 : i32
      %dma_start3A_206 = arith.constant 0 : i32
      %dma_start3A_207 = arith.constant 0 : i32
      %dma_start3A_208 = arith.constant 0 : i32
      %dma_start3A_209 = tpu.memref_slice %arg8[%dma_start3A_205, %dma_start3A_207, %dma_start3A_208] : memref<2x128x64xf32, #tpu.memory_space<vmem>> -> memref<1x128x64xf32, #tpu.memory_space<vmem>>
      %dma_start3A_210 = tpu.memref_squeeze %dma_start3A_209 : memref<1x128x64xf32, #tpu.memory_space<vmem>> -> memref<128x64xf32, #tpu.memory_space<vmem>>
      %dma_start3A_211 = arith.constant 0 : i32
      %dma_start3A_212 = tpu.memref_slice %arg4[%mul3A_204, %dma_start3A_211] : memref<819200x64xf32, #tpu.memory_space<hbm>> -> memref<128x64xf32, #tpu.memory_space<hbm>>
      %dma_start3A_213 = tpu.memref_slice %arg10[%dma_start3A_206] : memref<2x!tpu.dma_semaphore, #tpu.memory_space<semaphore_mem>> -> memref<1x!tpu.dma_semaphore, #tpu.memory_space<semaphore_mem>>
      %dma_start3A_214 = tpu.memref_squeeze %dma_start3A_213 : memref<1x!tpu.dma_semaphore, #tpu.memory_space<semaphore_mem>> -> memref<!tpu.dma_semaphore, #tpu.memory_space<semaphore_mem>>
      %dma_start3A_215 = arith.constant 0 : i32
      %dma_start3A_216 = tpu.memref_slice %arg4[%mul3A_204, %dma_start3A_215] : memref<819200x64xf32, #tpu.memory_space<hbm>> -> memref<128x64xf32, #tpu.memory_space<hbm>>
      %dma_start3A_217 = arith.constant 0 : i32
      %dma_start3A_218 = arith.constant 0 : i32
      %dma_start3A_219 = tpu.memref_slice %arg8[%dma_start3A_205, %dma_start3A_217, %dma_start3A_218] : memref<2x128x64xf32, #tpu.memory_space<vmem>> -> memref<1x128x64xf32, #tpu.memory_space<vmem>>
      %dma_start3A_220 = tpu.memref_squeeze %dma_start3A_219 : memref<1x128x64xf32, #tpu.memory_space<vmem>> -> memref<128x64xf32, #tpu.memory_space<vmem>>
      tpu.enqueue_dma source(%dma_start3A_220 : memref<128x64xf32, #tpu.memory_space<vmem>>) target(%dma_start3A_216 : memref<128x64xf32, #tpu.memory_space<hbm>>) target_semaphore(%dma_start3A_214 : memref<!tpu.dma_semaphore, #tpu.memory_space<semaphore_mem>>)
      %add3A_221 = arith.constant 1 : i32
      %add3A_222 = arith.addi %add3A_169, %add3A_221 : i32
      %dma_wait3A_223 = arith.constant 1 : i32
      %dma_wait3A_224 = arith.constant 1 : i32
      %dma_wait3A_225 = arith.constant 1 : i32
      %dma_wait3A_226 = arith.constant 0 : i32
      %dma_wait3A_227 = arith.constant 0 : i32
      %dma_wait3A_228 = tpu.memref_slice %arg7[%dma_wait3A_224, %dma_wait3A_226, %dma_wait3A_227] : memref<2x128x128xf32, #tpu.memory_space<vmem>> -> memref<1x128x128xf32, #tpu.memory_space<vmem>>
      %dma_wait3A_229 = tpu.memref_squeeze %dma_wait3A_228 : memref<1x128x128xf32, #tpu.memory_space<vmem>> -> memref<128x128xf32, #tpu.memory_space<vmem>>
      %dma_wait3A_230 = arith.constant 0 : i32
      %dma_wait3A_231 = tpu.memref_slice %arg6[%dma_wait3A_223, %dma_wait3A_230] : memref<2x128xi32, #tpu.memory_space<vmem>> -> memref<1x128xi32, #tpu.memory_space<vmem>>
      %dma_wait3A_232 = tpu.memref_squeeze %dma_wait3A_231 : memref<1x128xi32, #tpu.memory_space<vmem>> -> memref<128xi32, #tpu.memory_space<vmem>>
      %dma_wait3A_233 = arith.constant 0 : i32
      %dma_wait3A_234 = arith.constant 0 : i32
      %dma_wait3A_235 = tpu.memref_slice %arg3[%dma_wait3A_233, %dma_wait3A_234] : memref<500000x128xf32, #tpu.memory_space<hbm>> -> memref<500000x128xf32, #tpu.memory_space<hbm>>
      %dma_wait3A_236 = tpu.memref_slice %arg9[%dma_wait3A_225] : memref<2x!tpu.dma_semaphore, #tpu.memory_space<semaphore_mem>> -> memref<1x!tpu.dma_semaphore, #tpu.memory_space<semaphore_mem>>
      %dma_wait3A_237 = tpu.memref_squeeze %dma_wait3A_236 : memref<1x!tpu.dma_semaphore, #tpu.memory_space<semaphore_mem>> -> memref<!tpu.dma_semaphore, #tpu.memory_space<semaphore_mem>>
      tpu.wait_indirect_dma semaphore(%dma_wait3A_237 : memref<!tpu.dma_semaphore, #tpu.memory_space<semaphore_mem>>) src(%dma_wait3A_235 : memref<500000x128xf32, #tpu.memory_space<hbm>>) dst(%dma_wait3A_229 : memref<128x128xf32, #tpu.memory_space<vmem>>)
      %add3A_238 = arith.constant 1 : i32
      %add3A_239 = arith.addi %add3A_222, %add3A_238 : i32
      %lt3A_240 = arith.constant 200 : i32
      %lt3A_241 = arith.cmpi slt, %add3A_239, %lt3A_240 : i32
      %convert_element_type3A_242 = arith.extui %lt3A_241 : i1 to i32
      %cond3A_243 = arith.constant 0 : i32
      %cond3A_244 = arith.cmpi ne, %convert_element_type3A_242, %cond3A_243 : i32
      scf.if %cond3A_244 {
        %add3A_276 = arith.constant 1 : i32
        %add3A_277 = arith.addi %add3A_222, %add3A_276 : i32
        %get3A_278 = arith.index_cast %add3A_277 : i32 to index
        %get3A_279 = arith.constant 0 : index
        %get3A_280 = tpu.vector_load %arg5[%get3A_278, %get3A_279] {strides = array<i32>} : memref<200x128xi32, #tpu.memory_space<vmem>>, vector<1x16xi32>,
        %get3A_281 = vector.shape_cast %get3A_280 : vector<1x16xi32> to vector<16xi32>
        %shift_right_logical3A_282 = arith.constant 1 : i32
        %shift_right_logical3A_283 = vector.broadcast %shift_right_logical3A_282 : i32 to vector<16xi32>
        %shift_right_logical3A_284 = arith.shrui %get3A_281, %shift_right_logical3A_283 : vector<16xi32>
        %swap3A_285 = arith.constant 0 : i32
        %swap3A_286 = arith.index_cast %swap3A_285 : i32 to index
        %swap3A_287 = arith.constant 0 : index
        %swap3A_288 = tpu.vector_load %arg6[%swap3A_286, %swap3A_287] {strides = array<i32>} : memref<2x128xi32, #tpu.memory_space<vmem>>, vector<1x16xi32>,
        %swap3A_289 = vector.shape_cast %swap3A_288 : vector<1x16xi32> to vector<16xi32>
        %swap3A_290 = vector.shape_cast %shift_right_logical3A_284 : vector<16xi32> to vector<1x16xi32>
        tpu.vector_store %arg6[%swap3A_286, %swap3A_287], %swap3A_290 {strides = array<i32>} : memref<2x128xi32, #tpu.memory_space<vmem>>, vector<1x16xi32>,
        %get3A_291 = arith.index_cast %add3A_277 : i32 to index
        %get3A_292 = arith.constant 16 : index
        %get3A_293 = tpu.vector_load %arg5[%get3A_291, %get3A_292] {strides = array<i32>} : memref<200x128xi32, #tpu.memory_space<vmem>>, vector<1x16xi32>,
        %get3A_294 = vector.shape_cast %get3A_293 : vector<1x16xi32> to vector<16xi32>
        %shift_right_logical3A_295 = arith.constant 1 : i32
        %shift_right_logical3A_296 = vector.broadcast %shift_right_logical3A_295 : i32 to vector<16xi32>
        %shift_right_logical3A_297 = arith.shrui %get3A_294, %shift_right_logical3A_296 : vector<16xi32>
        %swap3A_298 = arith.constant 0 : i32
        %swap3A_299 = arith.index_cast %swap3A_298 : i32 to index
        %swap3A_300 = arith.constant 16 : index
        %swap3A_301 = tpu.vector_load %arg6[%swap3A_299, %swap3A_300] {strides = array<i32>} : memref<2x128xi32, #tpu.memory_space<vmem>>, vector<1x16xi32>,
        %swap3A_302 = vector.shape_cast %swap3A_301 : vector<1x16xi32> to vector<16xi32>
        %swap3A_303 = vector.shape_cast %shift_right_logical3A_297 : vector<16xi32> to vector<1x16xi32>
        tpu.vector_store %arg6[%swap3A_299, %swap3A_300], %swap3A_303 {strides = array<i32>} : memref<2x128xi32, #tpu.memory_space<vmem>>, vector<1x16xi32>,
        %get3A_304 = arith.index_cast %add3A_277 : i32 to index
        %get3A_305 = arith.constant 32 : index
        %get3A_306 = tpu.vector_load %arg5[%get3A_304, %get3A_305] {strides = array<i32>} : memref<200x128xi32, #tpu.memory_space<vmem>>, vector<1x16xi32>,
        %get3A_307 = vector.shape_cast %get3A_306 : vector<1x16xi32> to vector<16xi32>
        %shift_right_logical3A_308 = arith.constant 1 : i32
        %shift_right_logical3A_309 = vector.broadcast %shift_right_logical3A_308 : i32 to vector<16xi32>
        %shift_right_logical3A_310 = arith.shrui %get3A_307, %shift_right_logical3A_309 : vector<16xi32>
        %swap3A_311 = arith.constant 0 : i32
        %swap3A_312 = arith.index_cast %swap3A_311 : i32 to index
        %swap3A_313 = arith.constant 32 : index
        %swap3A_314 = tpu.vector_load %arg6[%swap3A_312, %swap3A_313] {strides = array<i32>} : memref<2x128xi32, #tpu.memory_space<vmem>>, vector<1x16xi32>,
        %swap3A_315 = vector.shape_cast %swap3A_314 : vector<1x16xi32> to vector<16xi32>
        %swap3A_316 = vector.shape_cast %shift_right_logical3A_310 : vector<16xi32> to vector<1x16xi32>
        tpu.vector_store %arg6[%swap3A_312, %swap3A_313], %swap3A_316 {strides = array<i32>} : memref<2x128xi32, #tpu.memory_space<vmem>>, vector<1x16xi32>,
        %get3A_317 = arith.index_cast %add3A_277 : i32 to index
        %get3A_318 = arith.constant 48 : index
        %get3A_319 = tpu.vector_load %arg5[%get3A_317, %get3A_318] {strides = array<i32>} : memref<200x128xi32, #tpu.memory_space<vmem>>, vector<1x16xi32>,
        %get3A_320 = vector.shape_cast %get3A_319 : vector<1x16xi32> to vector<16xi32>
        %shift_right_logical3A_321 = arith.constant 1 : i32
        %shift_right_logical3A_322 = vector.broadcast %shift_right_logical3A_321 : i32 to vector<16xi32>
        %shift_right_logical3A_323 = arith.shrui %get3A_320, %shift_right_logical3A_322 : vector<16xi32>
        %swap3A_324 = arith.constant 0 : i32
        %swap3A_325 = arith.index_cast %swap3A_324 : i32 to index
        %swap3A_326 = arith.constant 48 : index
        %swap3A_327 = tpu.vector_load %arg6[%swap3A_325, %swap3A_326] {strides = array<i32>} : memref<2x128xi32, #tpu.memory_space<vmem>>, vector<1x16xi32>,
        %swap3A_328 = vector.shape_cast %swap3A_327 : vector<1x16xi32> to vector<16xi32>
        %swap3A_329 = vector.shape_cast %shift_right_logical3A_323 : vector<16xi32> to vector<1x16xi32>
        tpu.vector_store %arg6[%swap3A_325, %swap3A_326], %swap3A_329 {strides = array<i32>} : memref<2x128xi32, #tpu.memory_space<vmem>>, vector<1x16xi32>,
        %get3A_330 = arith.index_cast %add3A_277 : i32 to index
        %get3A_331 = arith.constant 64 : index
        %get3A_332 = tpu.vector_load %arg5[%get3A_330, %get3A_331] {strides = array<i32>} : memref<200x128xi32, #tpu.memory_space<vmem>>, vector<1x16xi32>,
        %get3A_333 = vector.shape_cast %get3A_332 : vector<1x16xi32> to vector<16xi32>
        %shift_right_logical3A_334 = arith.constant 1 : i32
        %shift_right_logical3A_335 = vector.broadcast %shift_right_logical3A_334 : i32 to vector<16xi32>
        %shift_right_logical3A_336 = arith.shrui %get3A_333, %shift_right_logical3A_335 : vector<16xi32>
        %swap3A_337 = arith.constant 0 : i32
        %swap3A_338 = arith.index_cast %swap3A_337 : i32 to index
        %swap3A_339 = arith.constant 64 : index
        %swap3A_340 = tpu.vector_load %arg6[%swap3A_338, %swap3A_339] {strides = array<i32>} : memref<2x128xi32, #tpu.memory_space<vmem>>, vector<1x16xi32>,
        %swap3A_341 = vector.shape_cast %swap3A_340 : vector<1x16xi32> to vector<16xi32>
        %swap3A_342 = vector.shape_cast %shift_right_logical3A_336 : vector<16xi32> to vector<1x16xi32>
        tpu.vector_store %arg6[%swap3A_338, %swap3A_339], %swap3A_342 {strides = array<i32>} : memref<2x128xi32, #tpu.memory_space<vmem>>, vector<1x16xi32>,
        %get3A_343 = arith.index_cast %add3A_277 : i32 to index
        %get3A_344 = arith.constant 80 : index
        %get3A_345 = tpu.vector_load %arg5[%get3A_343, %get3A_344] {strides = array<i32>} : memref<200x128xi32, #tpu.memory_space<vmem>>, vector<1x16xi32>,
        %get3A_346 = vector.shape_cast %get3A_345 : vector<1x16xi32> to vector<16xi32>
        %shift_right_logical3A_347 = arith.constant 1 : i32
        %shift_right_logical3A_348 = vector.broadcast %shift_right_logical3A_347 : i32 to vector<16xi32>
        %shift_right_logical3A_349 = arith.shrui %get3A_346, %shift_right_logical3A_348 : vector<16xi32>
        %swap3A_350 = arith.constant 0 : i32
        %swap3A_351 = arith.index_cast %swap3A_350 : i32 to index
        %swap3A_352 = arith.constant 80 : index
        %swap3A_353 = tpu.vector_load %arg6[%swap3A_351, %swap3A_352] {strides = array<i32>} : memref<2x128xi32, #tpu.memory_space<vmem>>, vector<1x16xi32>,
        %swap3A_354 = vector.shape_cast %swap3A_353 : vector<1x16xi32> to vector<16xi32>
        %swap3A_355 = vector.shape_cast %shift_right_logical3A_349 : vector<16xi32> to vector<1x16xi32>
        tpu.vector_store %arg6[%swap3A_351, %swap3A_352], %swap3A_355 {strides = array<i32>} : memref<2x128xi32, #tpu.memory_space<vmem>>, vector<1x16xi32>,
        %get3A_356 = arith.index_cast %add3A_277 : i32 to index
        %get3A_357 = arith.constant 96 : index
        %get3A_358 = tpu.vector_load %arg5[%get3A_356, %get3A_357] {strides = array<i32>} : memref<200x128xi32, #tpu.memory_space<vmem>>, vector<1x16xi32>,
        %get3A_359 = vector.shape_cast %get3A_358 : vector<1x16xi32> to vector<16xi32>
        %shift_right_logical3A_360 = arith.constant 1 : i32
        %shift_right_logical3A_361 = vector.broadcast %shift_right_logical3A_360 : i32 to vector<16xi32>
        %shift_right_logical3A_362 = arith.shrui %get3A_359, %shift_right_logical3A_361 : vector<16xi32>
        %swap3A_363 = arith.constant 0 : i32
        %swap3A_364 = arith.index_cast %swap3A_363 : i32 to index
        %swap3A_365 = arith.constant 96 : index
        %swap3A_366 = tpu.vector_load %arg6[%swap3A_364, %swap3A_365] {strides = array<i32>} : memref<2x128xi32, #tpu.memory_space<vmem>>, vector<1x16xi32>,
        %swap3A_367 = vector.shape_cast %swap3A_366 : vector<1x16xi32> to vector<16xi32>
        %swap3A_368 = vector.shape_cast %shift_right_logical3A_362 : vector<16xi32> to vector<1x16xi32>
        tpu.vector_store %arg6[%swap3A_364, %swap3A_365], %swap3A_368 {strides = array<i32>} : memref<2x128xi32, #tpu.memory_space<vmem>>, vector<1x16xi32>,
        %get3A_369 = arith.index_cast %add3A_277 : i32 to index
        %get3A_370 = arith.constant 112 : index
        %get3A_371 = tpu.vector_load %arg5[%get3A_369, %get3A_370] {strides = array<i32>} : memref<200x128xi32, #tpu.memory_space<vmem>>, vector<1x16xi32>,
        %get3A_372 = vector.shape_cast %get3A_371 : vector<1x16xi32> to vector<16xi32>
        %shift_right_logical3A_373 = arith.constant 1 : i32
        %shift_right_logical3A_374 = vector.broadcast %shift_right_logical3A_373 : i32 to vector<16xi32>
        %shift_right_logical3A_375 = arith.shrui %get3A_372, %shift_right_logical3A_374 : vector<16xi32>
        %swap3A_376 = arith.constant 0 : i32
        %swap3A_377 = arith.index_cast %swap3A_376 : i32 to index
        %swap3A_378 = arith.constant 112 : index
        %swap3A_379 = tpu.vector_load %arg6[%swap3A_377, %swap3A_378] {strides = array<i32>} : memref<2x128xi32, #tpu.memory_space<vmem>>, vector<1x16xi32>,
        %swap3A_380 = vector.shape_cast %swap3A_379 : vector<1x16xi32> to vector<16xi32>
        %swap3A_381 = vector.shape_cast %shift_right_logical3A_375 : vector<16xi32> to vector<1x16xi32>
        tpu.vector_store %arg6[%swap3A_377, %swap3A_378], %swap3A_381 {strides = array<i32>} : memref<2x128xi32, #tpu.memory_space<vmem>>, vector<1x16xi32>,
        %dma_start3A_382 = arith.constant 0 : i32
        %dma_start3A_383 = arith.constant 0 : i32
        %dma_start3A_384 = arith.constant 0 : i32
        %dma_start3A_385 = arith.constant 0 : i32
        %dma_start3A_386 = arith.constant 0 : i32
        %dma_start3A_387 = tpu.memref_slice %arg7[%dma_start3A_383, %dma_start3A_385, %dma_start3A_386] : memref<2x128x128xf32, #tpu.memory_space<vmem>> -> memref<1x128x128xf32, #tpu.memory_space<vmem>>
        %dma_start3A_388 = tpu.memref_squeeze %dma_start3A_387 : memref<1x128x128xf32, #tpu.memory_space<vmem>> -> memref<128x128xf32, #tpu.memory_space<vmem>>
        %dma_start3A_389 = arith.constant 0 : i32
        %dma_start3A_390 = tpu.memref_slice %arg6[%dma_start3A_382, %dma_start3A_389] : memref<2x128xi32, #tpu.memory_space<vmem>> -> memref<1x128xi32, #tpu.memory_space<vmem>>
        %dma_start3A_391 = tpu.memref_squeeze %dma_start3A_390 : memref<1x128xi32, #tpu.memory_space<vmem>> -> memref<128xi32, #tpu.memory_space<vmem>>
        %dma_start3A_392 = arith.constant 0 : i32
        %dma_start3A_393 = arith.constant 0 : i32
        %dma_start3A_394 = tpu.memref_slice %arg3[%dma_start3A_392, %dma_start3A_393] : memref<500000x128xf32, #tpu.memory_space<hbm>> -> memref<500000x128xf32, #tpu.memory_space<hbm>>
        %dma_start3A_395 = tpu.memref_slice %arg9[%dma_start3A_384] : memref<2x!tpu.dma_semaphore, #tpu.memory_space<semaphore_mem>> -> memref<1x!tpu.dma_semaphore, #tpu.memory_space<semaphore_mem>>
        %dma_start3A_396 = tpu.memref_squeeze %dma_start3A_395 : memref<1x!tpu.dma_semaphore, #tpu.memory_space<semaphore_mem>> -> memref<!tpu.dma_semaphore, #tpu.memory_space<semaphore_mem>>
        tpu.enqueue_indirect_dma source(%dma_start3A_394 : memref<500000x128xf32, #tpu.memory_space<hbm>>) target(%dma_start3A_388 : memref<128x128xf32, #tpu.memory_space<vmem>>) offsets(%dma_start3A_391 : memref<128xi32, #tpu.memory_space<vmem>>) semaphore(%dma_start3A_396 : memref<!tpu.dma_semaphore, #tpu.memory_space<semaphore_mem>>)
      } else {
      }
      %ge3A_245 = arith.constant 2 : i32
      %ge3A_246 = arith.cmpi sge, %add3A_222, %ge3A_245 : i32
      %convert_element_type3A_247 = arith.extui %ge3A_246 : i1 to i32
      %cond3A_248 = arith.constant 0 : i32
      %cond3A_249 = arith.cmpi ne, %convert_element_type3A_247, %cond3A_248 : i32
      scf.if %cond3A_249 {
        %dma_wait3A_276 = arith.constant 1 : i32
        %dma_wait3A_277 = arith.constant 1 : i32
        %dma_wait3A_278 = arith.constant 0 : i32
        %dma_wait3A_279 = arith.constant 0 : i32
        %dma_wait3A_280 = tpu.memref_slice %arg8[%dma_wait3A_276, %dma_wait3A_278, %dma_wait3A_279] : memref<2x128x64xf32, #tpu.memory_space<vmem>> -> memref<1x128x64xf32, #tpu.memory_space<vmem>>
        %dma_wait3A_281 = tpu.memref_squeeze %dma_wait3A_280 : memref<1x128x64xf32, #tpu.memory_space<vmem>> -> memref<128x64xf32, #tpu.memory_space<vmem>>
        %dma_wait3A_282 = arith.constant 0 : i32
        %dma_wait3A_283 = arith.constant 0 : i32
        %dma_wait3A_284 = tpu.memref_slice %arg4[%dma_wait3A_282, %dma_wait3A_283] : memref<819200x64xf32, #tpu.memory_space<hbm>> -> memref<128x64xf32, #tpu.memory_space<hbm>>
        %dma_wait3A_285 = tpu.memref_slice %arg10[%dma_wait3A_277] : memref<2x!tpu.dma_semaphore, #tpu.memory_space<semaphore_mem>> -> memref<1x!tpu.dma_semaphore, #tpu.memory_space<semaphore_mem>>
        %dma_wait3A_286 = tpu.memref_squeeze %dma_wait3A_285 : memref<1x!tpu.dma_semaphore, #tpu.memory_space<semaphore_mem>> -> memref<!tpu.dma_semaphore, #tpu.memory_space<semaphore_mem>>
        %dma_wait3A_287 = arith.constant 0 : i32
        %dma_wait3A_288 = arith.constant 0 : i32
        %dma_wait3A_289 = tpu.memref_slice %arg4[%dma_wait3A_287, %dma_wait3A_288] : memref<819200x64xf32, #tpu.memory_space<hbm>> -> memref<128x64xf32, #tpu.memory_space<hbm>>
        %dma_wait3A_290 = arith.constant 0 : i32
        %dma_wait3A_291 = arith.constant 0 : i32
        %dma_wait3A_292 = tpu.memref_slice %arg8[%dma_wait3A_276, %dma_wait3A_290, %dma_wait3A_291] : memref<2x128x64xf32, #tpu.memory_space<vmem>> -> memref<1x128x64xf32, #tpu.memory_space<vmem>>
        %dma_wait3A_293 = tpu.memref_squeeze %dma_wait3A_292 : memref<1x128x64xf32, #tpu.memory_space<vmem>> -> memref<128x64xf32, #tpu.memory_space<vmem>>
        tpu.wait_dma2 semaphore(%dma_wait3A_286 : memref<!tpu.dma_semaphore, #tpu.memory_space<semaphore_mem>>) src(%dma_wait3A_293 : memref<128x64xf32, #tpu.memory_space<vmem>>) dst(%dma_wait3A_289 : memref<128x64xf32, #tpu.memory_space<hbm>>)
      } else {
      }
      %scan3A_250 = arith.constant 1 : i32
      %scan3A_251 = arith.constant 1 : i32
      %scan3A_252 = arith.constant 0 : i32
      %scan3A_253 = arith.constant 128 : i32
      %scan3A_254 = arith.addi %scan3A_252, %scan3A_253 : i32
      %scan3A_255 = arith.constant 1 : i32
      scf.for %scan3A_276 = %scan3A_252 to %scan3A_254 step %scan3A_255  : i32 {
        %mul3A_277 = arith.constant 1 : i32
        %mul3A_278 = arith.muli %scan3A_276, %mul3A_277 : i32
        %add3A_279 = arith.constant 0 : i32
        %add3A_280 = arith.addi %add3A_279, %mul3A_278 : i32
        %div3A = arith.constant 16 : i32
        %div3A_281 = arith.divsi %add3A_280, %div3A : i32
        %mul3A_282 = arith.constant 16 : i32
        %mul3A_283 = arith.muli %div3A_281, %mul3A_282 : i32
        %rem3A = arith.constant 16 : i32
        %rem3A_284 = arith.remsi %add3A_280, %rem3A : i32
        %get3A_285 = arith.index_cast %add3A_222 : i32 to index
        %get3A_286 = arith.index_cast %mul3A_283 : i32 to index
        %get3A_287 = tpu.vector_load %arg5[%get3A_285, %get3A_286] {strides = array<i32>} : memref<200x128xi32, #tpu.memory_space<vmem>>, vector<1x16xi32>,
        %get3A_288 = vector.shape_cast %get3A_287 : vector<1x16xi32> to vector<16xi32>
        %and3A = arith.constant 1 : i32
        %and3A_289 = vector.broadcast %and3A : i32 to vector<16xi32>
        %and3A_290 = arith.andi %get3A_288, %and3A_289 : vector<16xi32>
        %convert_element_type3A_291 = arith.sitofp %and3A_290 : vector<16xi32> to vector<16xf32>
        %broadcast_in_dim3A = vector.broadcast %rem3A_284 : i32 to vector<16xi32>
        %lt3A_292 = arith.constant 0 : i32
        %lt3A_293 = vector.broadcast %lt3A_292 : i32 to vector<16xi32>
        %lt3A_294 = arith.cmpi slt, %broadcast_in_dim3A, %lt3A_293 : vector<16xi32>
        %add3A_295 = arith.constant 16 : i32
        %add3A_296 = vector.broadcast %add3A_295 : i32 to vector<16xi32>
        %add3A_297 = arith.addi %broadcast_in_dim3A, %add3A_296 : vector<16xi32>
        %select_n3A = arith.select %lt3A_294, %add3A_297, %broadcast_in_dim3A : vector<16xi1>, vector<16xi32>
        %broadcast_in_dim3A_298 = vector.shape_cast %select_n3A : vector<16xi32> to vector<16x1xi32>
        %gather3A = vector.shape_cast %broadcast_in_dim3A_298 : vector<16x1xi32> to vector<16xi32>
        %gather3A_299 = tpu.dynamic_gather %convert_element_type3A_291[%gather3A] in [0] : vector<16xf32>, vector<16xi32> -> vector<16xf32>
        %get3A_300 = arith.constant 0 : i32
        %get3A_301 = arith.constant 0 : i32
        %get3A_302 = tpu.memref_slice %arg7[%scan3A_250, %get3A_300, %get3A_301] : memref<2x128x128xf32, #tpu.memory_space<vmem>> -> memref<1x128x128xf32, #tpu.memory_space<vmem>>
        %get3A_303 = tpu.memref_squeeze %get3A_302 : memref<1x128x128xf32, #tpu.memory_space<vmem>> -> memref<128x128xf32, #tpu.memory_space<vmem>>
        %get3A_304 = arith.index_cast %add3A_280 : i32 to index
        %get3A_305 = arith.constant 0 : index
        %get3A_306 = tpu.vector_load %get3A_303[%get3A_304, %get3A_305] {strides = array<i32>} : memref<128x128xf32, #tpu.memory_space<vmem>>, vector<1x16xf32>,
        %get3A_307 = vector.shape_cast %get3A_306 : vector<1x16xf32> to vector<16xf32>
        %get3A_308 = arith.constant 0 : i32
        %get3A_309 = arith.constant 0 : i32
        %get3A_310 = tpu.memref_slice %arg7[%scan3A_250, %get3A_308, %get3A_309] : memref<2x128x128xf32, #tpu.memory_space<vmem>> -> memref<1x128x128xf32, #tpu.memory_space<vmem>>
        %get3A_311 = tpu.memref_squeeze %get3A_310 : memref<1x128x128xf32, #tpu.memory_space<vmem>> -> memref<128x128xf32, #tpu.memory_space<vmem>>
        %get3A_312 = arith.index_cast %add3A_280 : i32 to index
        %get3A_313 = arith.constant 64 : index
        %get3A_314 = tpu.vector_load %get3A_311[%get3A_312, %get3A_313] {strides = array<i32>} : memref<128x128xf32, #tpu.memory_space<vmem>>, vector<1x16xf32>,
        %get3A_315 = vector.shape_cast %get3A_314 : vector<1x16xf32> to vector<16xf32>
        %sub3A = arith.subf %get3A_315, %get3A_307 : vector<16xf32>
        %mul3A_316 = arith.mulf %gather3A_299, %sub3A : vector<16xf32>
        %add3A_317 = arith.addf %get3A_307, %mul3A_316 : vector<16xf32>
        %swap3A_318 = arith.constant 0 : i32
        %swap3A_319 = arith.constant 0 : i32
        %swap3A_320 = tpu.memref_slice %arg8[%scan3A_251, %swap3A_318, %swap3A_319] : memref<2x128x64xf32, #tpu.memory_space<vmem>> -> memref<1x128x64xf32, #tpu.memory_space<vmem>>
        %swap3A_321 = tpu.memref_squeeze %swap3A_320 : memref<1x128x64xf32, #tpu.memory_space<vmem>> -> memref<128x64xf32, #tpu.memory_space<vmem>>
        %swap3A_322 = arith.index_cast %add3A_280 : i32 to index
        %swap3A_323 = arith.constant 0 : index
        %swap3A_324 = tpu.vector_load %swap3A_321[%swap3A_322, %swap3A_323] {strides = array<i32>} : memref<128x64xf32, #tpu.memory_space<vmem>>, vector<1x16xf32>,
        %swap3A_325 = vector.shape_cast %swap3A_324 : vector<1x16xf32> to vector<16xf32>
        %swap3A_326 = vector.shape_cast %add3A_317 : vector<16xf32> to vector<1x16xf32>
        tpu.vector_store %swap3A_321[%swap3A_322, %swap3A_323], %swap3A_326 {strides = array<i32>} : memref<128x64xf32, #tpu.memory_space<vmem>>, vector<1x16xf32>,
        %get3A_327 = arith.constant 0 : i32
        %get3A_328 = arith.constant 0 : i32
        %get3A_329 = tpu.memref_slice %arg7[%scan3A_250, %get3A_327, %get3A_328] : memref<2x128x128xf32, #tpu.memory_space<vmem>> -> memref<1x128x128xf32, #tpu.memory_space<vmem>>
        %get3A_330 = tpu.memref_squeeze %get3A_329 : memref<1x128x128xf32, #tpu.memory_space<vmem>> -> memref<128x128xf32, #tpu.memory_space<vmem>>
        %get3A_331 = arith.index_cast %add3A_280 : i32 to index
        %get3A_332 = arith.constant 16 : index
        %get3A_333 = tpu.vector_load %get3A_330[%get3A_331, %get3A_332] {strides = array<i32>} : memref<128x128xf32, #tpu.memory_space<vmem>>, vector<1x16xf32>,
        %get3A_334 = vector.shape_cast %get3A_333 : vector<1x16xf32> to vector<16xf32>
        %get3A_335 = arith.constant 0 : i32
        %get3A_336 = arith.constant 0 : i32
        %get3A_337 = tpu.memref_slice %arg7[%scan3A_250, %get3A_335, %get3A_336] : memref<2x128x128xf32, #tpu.memory_space<vmem>> -> memref<1x128x128xf32, #tpu.memory_space<vmem>>
        %get3A_338 = tpu.memref_squeeze %get3A_337 : memref<1x128x128xf32, #tpu.memory_space<vmem>> -> memref<128x128xf32, #tpu.memory_space<vmem>>
        %get3A_339 = arith.index_cast %add3A_280 : i32 to index
        %get3A_340 = arith.constant 80 : index
        %get3A_341 = tpu.vector_load %get3A_338[%get3A_339, %get3A_340] {strides = array<i32>} : memref<128x128xf32, #tpu.memory_space<vmem>>, vector<1x16xf32>,
        %get3A_342 = vector.shape_cast %get3A_341 : vector<1x16xf32> to vector<16xf32>
        %sub3A_343 = arith.subf %get3A_342, %get3A_334 : vector<16xf32>
        %mul3A_344 = arith.mulf %gather3A_299, %sub3A_343 : vector<16xf32>
        %add3A_345 = arith.addf %get3A_334, %mul3A_344 : vector<16xf32>
        %swap3A_346 = arith.constant 0 : i32
        %swap3A_347 = arith.constant 0 : i32
        %swap3A_348 = tpu.memref_slice %arg8[%scan3A_251, %swap3A_346, %swap3A_347] : memref<2x128x64xf32, #tpu.memory_space<vmem>> -> memref<1x128x64xf32, #tpu.memory_space<vmem>>
        %swap3A_349 = tpu.memref_squeeze %swap3A_348 : memref<1x128x64xf32, #tpu.memory_space<vmem>> -> memref<128x64xf32, #tpu.memory_space<vmem>>
        %swap3A_350 = arith.index_cast %add3A_280 : i32 to index
        %swap3A_351 = arith.constant 16 : index
        %swap3A_352 = tpu.vector_load %swap3A_349[%swap3A_350, %swap3A_351] {strides = array<i32>} : memref<128x64xf32, #tpu.memory_space<vmem>>, vector<1x16xf32>,
        %swap3A_353 = vector.shape_cast %swap3A_352 : vector<1x16xf32> to vector<16xf32>
        %swap3A_354 = vector.shape_cast %add3A_345 : vector<16xf32> to vector<1x16xf32>
        tpu.vector_store %swap3A_349[%swap3A_350, %swap3A_351], %swap3A_354 {strides = array<i32>} : memref<128x64xf32, #tpu.memory_space<vmem>>, vector<1x16xf32>,
        %get3A_355 = arith.constant 0 : i32
        %get3A_356 = arith.constant 0 : i32
        %get3A_357 = tpu.memref_slice %arg7[%scan3A_250, %get3A_355, %get3A_356] : memref<2x128x128xf32, #tpu.memory_space<vmem>> -> memref<1x128x128xf32, #tpu.memory_space<vmem>>
        %get3A_358 = tpu.memref_squeeze %get3A_357 : memref<1x128x128xf32, #tpu.memory_space<vmem>> -> memref<128x128xf32, #tpu.memory_space<vmem>>
        %get3A_359 = arith.index_cast %add3A_280 : i32 to index
        %get3A_360 = arith.constant 32 : index
        %get3A_361 = tpu.vector_load %get3A_358[%get3A_359, %get3A_360] {strides = array<i32>} : memref<128x128xf32, #tpu.memory_space<vmem>>, vector<1x16xf32>,
        %get3A_362 = vector.shape_cast %get3A_361 : vector<1x16xf32> to vector<16xf32>
        %get3A_363 = arith.constant 0 : i32
        %get3A_364 = arith.constant 0 : i32
        %get3A_365 = tpu.memref_slice %arg7[%scan3A_250, %get3A_363, %get3A_364] : memref<2x128x128xf32, #tpu.memory_space<vmem>> -> memref<1x128x128xf32, #tpu.memory_space<vmem>>
        %get3A_366 = tpu.memref_squeeze %get3A_365 : memref<1x128x128xf32, #tpu.memory_space<vmem>> -> memref<128x128xf32, #tpu.memory_space<vmem>>
        %get3A_367 = arith.index_cast %add3A_280 : i32 to index
        %get3A_368 = arith.constant 96 : index
        %get3A_369 = tpu.vector_load %get3A_366[%get3A_367, %get3A_368] {strides = array<i32>} : memref<128x128xf32, #tpu.memory_space<vmem>>, vector<1x16xf32>,
        %get3A_370 = vector.shape_cast %get3A_369 : vector<1x16xf32> to vector<16xf32>
        %sub3A_371 = arith.subf %get3A_370, %get3A_362 : vector<16xf32>
        %mul3A_372 = arith.mulf %gather3A_299, %sub3A_371 : vector<16xf32>
        %add3A_373 = arith.addf %get3A_362, %mul3A_372 : vector<16xf32>
        %swap3A_374 = arith.constant 0 : i32
        %swap3A_375 = arith.constant 0 : i32
        %swap3A_376 = tpu.memref_slice %arg8[%scan3A_251, %swap3A_374, %swap3A_375] : memref<2x128x64xf32, #tpu.memory_space<vmem>> -> memref<1x128x64xf32, #tpu.memory_space<vmem>>
        %swap3A_377 = tpu.memref_squeeze %swap3A_376 : memref<1x128x64xf32, #tpu.memory_space<vmem>> -> memref<128x64xf32, #tpu.memory_space<vmem>>
        %swap3A_378 = arith.index_cast %add3A_280 : i32 to index
        %swap3A_379 = arith.constant 32 : index
        %swap3A_380 = tpu.vector_load %swap3A_377[%swap3A_378, %swap3A_379] {strides = array<i32>} : memref<128x64xf32, #tpu.memory_space<vmem>>, vector<1x16xf32>,
        %swap3A_381 = vector.shape_cast %swap3A_380 : vector<1x16xf32> to vector<16xf32>
        %swap3A_382 = vector.shape_cast %add3A_373 : vector<16xf32> to vector<1x16xf32>
        tpu.vector_store %swap3A_377[%swap3A_378, %swap3A_379], %swap3A_382 {strides = array<i32>} : memref<128x64xf32, #tpu.memory_space<vmem>>, vector<1x16xf32>,
        %get3A_383 = arith.constant 0 : i32
        %get3A_384 = arith.constant 0 : i32
        %get3A_385 = tpu.memref_slice %arg7[%scan3A_250, %get3A_383, %get3A_384] : memref<2x128x128xf32, #tpu.memory_space<vmem>> -> memref<1x128x128xf32, #tpu.memory_space<vmem>>
        %get3A_386 = tpu.memref_squeeze %get3A_385 : memref<1x128x128xf32, #tpu.memory_space<vmem>> -> memref<128x128xf32, #tpu.memory_space<vmem>>
        %get3A_387 = arith.index_cast %add3A_280 : i32 to index
        %get3A_388 = arith.constant 48 : index
        %get3A_389 = tpu.vector_load %get3A_386[%get3A_387, %get3A_388] {strides = array<i32>} : memref<128x128xf32, #tpu.memory_space<vmem>>, vector<1x16xf32>,
        %get3A_390 = vector.shape_cast %get3A_389 : vector<1x16xf32> to vector<16xf32>
        %get3A_391 = arith.constant 0 : i32
        %get3A_392 = arith.constant 0 : i32
        %get3A_393 = tpu.memref_slice %arg7[%scan3A_250, %get3A_391, %get3A_392] : memref<2x128x128xf32, #tpu.memory_space<vmem>> -> memref<1x128x128xf32, #tpu.memory_space<vmem>>
        %get3A_394 = tpu.memref_squeeze %get3A_393 : memref<1x128x128xf32, #tpu.memory_space<vmem>> -> memref<128x128xf32, #tpu.memory_space<vmem>>
        %get3A_395 = arith.index_cast %add3A_280 : i32 to index
        %get3A_396 = arith.constant 112 : index
        %get3A_397 = tpu.vector_load %get3A_394[%get3A_395, %get3A_396] {strides = array<i32>} : memref<128x128xf32, #tpu.memory_space<vmem>>, vector<1x16xf32>,
        %get3A_398 = vector.shape_cast %get3A_397 : vector<1x16xf32> to vector<16xf32>
        %sub3A_399 = arith.subf %get3A_398, %get3A_390 : vector<16xf32>
        %mul3A_400 = arith.mulf %gather3A_299, %sub3A_399 : vector<16xf32>
        %add3A_401 = arith.addf %get3A_390, %mul3A_400 : vector<16xf32>
        %swap3A_402 = arith.constant 0 : i32
        %swap3A_403 = arith.constant 0 : i32
        %swap3A_404 = tpu.memref_slice %arg8[%scan3A_251, %swap3A_402, %swap3A_403] : memref<2x128x64xf32, #tpu.memory_space<vmem>> -> memref<1x128x64xf32, #tpu.memory_space<vmem>>
        %swap3A_405 = tpu.memref_squeeze %swap3A_404 : memref<1x128x64xf32, #tpu.memory_space<vmem>> -> memref<128x64xf32, #tpu.memory_space<vmem>>
        %swap3A_406 = arith.index_cast %add3A_280 : i32 to index
        %swap3A_407 = arith.constant 48 : index
        %swap3A_408 = tpu.vector_load %swap3A_405[%swap3A_406, %swap3A_407] {strides = array<i32>} : memref<128x64xf32, #tpu.memory_space<vmem>>, vector<1x16xf32>,
        %swap3A_409 = vector.shape_cast %swap3A_408 : vector<1x16xf32> to vector<16xf32>
        %swap3A_410 = vector.shape_cast %add3A_401 : vector<16xf32> to vector<1x16xf32>
        tpu.vector_store %swap3A_405[%swap3A_406, %swap3A_407], %swap3A_410 {strides = array<i32>} : memref<128x64xf32, #tpu.memory_space<vmem>>, vector<1x16xf32>,
      }
      %scan3A_256 = arith.constant 128 : i32
      %add3A_257 = arith.addi %mul3A_2, %add3A_222 : i32
      %mul3A_258 = arith.constant 128 : i32
      %mul3A_259 = arith.muli %add3A_257, %mul3A_258 : i32
      %dma_start3A_260 = arith.constant 1 : i32
      %dma_start3A_261 = arith.constant 1 : i32
      %dma_start3A_262 = arith.constant 0 : i32
      %dma_start3A_263 = arith.constant 0 : i32
      %dma_start3A_264 = tpu.memref_slice %arg8[%dma_start3A_260, %dma_start3A_262, %dma_start3A_263] : memref<2x128x64xf32, #tpu.memory_space<vmem>> -> memref<1x128x64xf32, #tpu.memory_space<vmem>>
      %dma_start3A_265 = tpu.memref_squeeze %dma_start3A_264 : memref<1x128x64xf32, #tpu.memory_space<vmem>> -> memref<128x64xf32, #tpu.memory_space<vmem>>
      %dma_start3A_266 = arith.constant 0 : i32
      %dma_start3A_267 = tpu.memref_slice %arg4[%mul3A_259, %dma_start3A_266] : memref<819200x64xf32, #tpu.memory_space<hbm>> -> memref<128x64xf32, #tpu.memory_space<hbm>>
      %dma_start3A_268 = tpu.memref_slice %arg10[%dma_start3A_261] : memref<2x!tpu.dma_semaphore, #tpu.memory_space<semaphore_mem>> -> memref<1x!tpu.dma_semaphore, #tpu.memory_space<semaphore_mem>>
      %dma_start3A_269 = tpu.memref_squeeze %dma_start3A_268 : memref<1x!tpu.dma_semaphore, #tpu.memory_space<semaphore_mem>> -> memref<!tpu.dma_semaphore, #tpu.memory_space<semaphore_mem>>
      %dma_start3A_270 = arith.constant 0 : i32
      %dma_start3A_271 = tpu.memref_slice %arg4[%mul3A_259, %dma_start3A_270] : memref<819200x64xf32, #tpu.memory_space<hbm>> -> memref<128x64xf32, #tpu.memory_space<hbm>>
      %dma_start3A_272 = arith.constant 0 : i32
      %dma_start3A_273 = arith.constant 0 : i32
      %dma_start3A_274 = tpu.memref_slice %arg8[%dma_start3A_260, %dma_start3A_272, %dma_start3A_273] : memref<2x128x64xf32, #tpu.memory_space<vmem>> -> memref<1x128x64xf32, #tpu.memory_space<vmem>>
      %dma_start3A_275 = tpu.memref_squeeze %dma_start3A_274 : memref<1x128x64xf32, #tpu.memory_space<vmem>> -> memref<128x64xf32, #tpu.memory_space<vmem>>
      tpu.enqueue_dma source(%dma_start3A_275 : memref<128x64xf32, #tpu.memory_space<vmem>>) target(%dma_start3A_271 : memref<128x64xf32, #tpu.memory_space<hbm>>) target_semaphore(%dma_start3A_269 : memref<!tpu.dma_semaphore, #tpu.memory_space<semaphore_mem>>)
    }
    %scan3A_129 = arith.constant 100 : i32
    %dma_wait3A = arith.constant 0 : i32
    %dma_wait3A_130 = arith.constant 0 : i32
    %dma_wait3A_131 = arith.constant 0 : i32
    %dma_wait3A_132 = arith.constant 0 : i32
    %dma_wait3A_133 = tpu.memref_slice %arg8[%dma_wait3A, %dma_wait3A_131, %dma_wait3A_132] : memref<2x128x64xf32, #tpu.memory_space<vmem>> -> memref<1x128x64xf32, #tpu.memory_space<vmem>>
    %dma_wait3A_134 = tpu.memref_squeeze %dma_wait3A_133 : memref<1x128x64xf32, #tpu.memory_space<vmem>> -> memref<128x64xf32, #tpu.memory_space<vmem>>
    %dma_wait3A_135 = arith.constant 0 : i32
    %dma_wait3A_136 = arith.constant 0 : i32
    %dma_wait3A_137 = tpu.memref_slice %arg4[%dma_wait3A_135, %dma_wait3A_136] : memref<819200x64xf32, #tpu.memory_space<hbm>> -> memref<128x64xf32, #tpu.memory_space<hbm>>
    %dma_wait3A_138 = tpu.memref_slice %arg10[%dma_wait3A_130] : memref<2x!tpu.dma_semaphore, #tpu.memory_space<semaphore_mem>> -> memref<1x!tpu.dma_semaphore, #tpu.memory_space<semaphore_mem>>
    %dma_wait3A_139 = tpu.memref_squeeze %dma_wait3A_138 : memref<1x!tpu.dma_semaphore, #tpu.memory_space<semaphore_mem>> -> memref<!tpu.dma_semaphore, #tpu.memory_space<semaphore_mem>>
    %dma_wait3A_140 = arith.constant 0 : i32
    %dma_wait3A_141 = arith.constant 0 : i32
    %dma_wait3A_142 = tpu.memref_slice %arg4[%dma_wait3A_140, %dma_wait3A_141] : memref<819200x64xf32, #tpu.memory_space<hbm>> -> memref<128x64xf32, #tpu.memory_space<hbm>>
    %dma_wait3A_143 = arith.constant 0 : i32
    %dma_wait3A_144 = arith.constant 0 : i32
    %dma_wait3A_145 = tpu.memref_slice %arg8[%dma_wait3A, %dma_wait3A_143, %dma_wait3A_144] : memref<2x128x64xf32, #tpu.memory_space<vmem>> -> memref<1x128x64xf32, #tpu.memory_space<vmem>>
    %dma_wait3A_146 = tpu.memref_squeeze %dma_wait3A_145 : memref<1x128x64xf32, #tpu.memory_space<vmem>> -> memref<128x64xf32, #tpu.memory_space<vmem>>
    tpu.wait_dma2 semaphore(%dma_wait3A_139 : memref<!tpu.dma_semaphore, #tpu.memory_space<semaphore_mem>>) src(%dma_wait3A_146 : memref<128x64xf32, #tpu.memory_space<vmem>>) dst(%dma_wait3A_142 : memref<128x64xf32, #tpu.memory_space<hbm>>)
    %dma_wait3A_147 = arith.constant 1 : i32
    %dma_wait3A_148 = arith.constant 1 : i32
    %dma_wait3A_149 = arith.constant 0 : i32
    %dma_wait3A_150 = arith.constant 0 : i32
    %dma_wait3A_151 = tpu.memref_slice %arg8[%dma_wait3A_147, %dma_wait3A_149, %dma_wait3A_150] : memref<2x128x64xf32, #tpu.memory_space<vmem>> -> memref<1x128x64xf32, #tpu.memory_space<vmem>>
    %dma_wait3A_152 = tpu.memref_squeeze %dma_wait3A_151 : memref<1x128x64xf32, #tpu.memory_space<vmem>> -> memref<128x64xf32, #tpu.memory_space<vmem>>
    %dma_wait3A_153 = arith.constant 0 : i32
    %dma_wait3A_154 = arith.constant 0 : i32
    %dma_wait3A_155 = tpu.memref_slice %arg4[%dma_wait3A_153, %dma_wait3A_154] : memref<819200x64xf32, #tpu.memory_space<hbm>> -> memref<128x64xf32, #tpu.memory_space<hbm>>
    %dma_wait3A_156 = tpu.memref_slice %arg10[%dma_wait3A_148] : memref<2x!tpu.dma_semaphore, #tpu.memory_space<semaphore_mem>> -> memref<1x!tpu.dma_semaphore, #tpu.memory_space<semaphore_mem>>
    %dma_wait3A_157 = tpu.memref_squeeze %dma_wait3A_156 : memref<1x!tpu.dma_semaphore, #tpu.memory_space<semaphore_mem>> -> memref<!tpu.dma_semaphore, #tpu.memory_space<semaphore_mem>>
    %dma_wait3A_158 = arith.constant 0 : i32
    %dma_wait3A_159 = arith.constant 0 : i32
    %dma_wait3A_160 = tpu.memref_slice %arg4[%dma_wait3A_158, %dma_wait3A_159] : memref<819200x64xf32, #tpu.memory_space<hbm>> -> memref<128x64xf32, #tpu.memory_space<hbm>>
    %dma_wait3A_161 = arith.constant 0 : i32
    %dma_wait3A_162 = arith.constant 0 : i32
    %dma_wait3A_163 = tpu.memref_slice %arg8[%dma_wait3A_147, %dma_wait3A_161, %dma_wait3A_162] : memref<2x128x64xf32, #tpu.memory_space<vmem>> -> memref<1x128x64xf32, #tpu.memory_space<vmem>>
    %dma_wait3A_164 = tpu.memref_squeeze %dma_wait3A_163 : memref<1x128x64xf32, #tpu.memory_space<vmem>> -> memref<128x64xf32, #tpu.memory_space<vmem>>
    tpu.wait_dma2 semaphore(%dma_wait3A_157 : memref<!tpu.dma_semaphore, #tpu.memory_space<semaphore_mem>>) src(%dma_wait3A_164 : memref<128x64xf32, #tpu.memory_space<vmem>>) dst(%dma_wait3A_160 : memref<128x64xf32, #tpu.memory_space<hbm>>)
    return
  }
}

</mosaic_0001>

<sc_bundles>
// kernel: kernel.3.cloned.1.call-start
scs
__scs_entry_jumppad:
0x0: {  	(pc) =	sbr.rel $0x88, $3  }
0x1: {  	(tag) =	ssettag $0x0;
	lr =	simm.s32 $0x1  }
0x2: {  	[smem:$0x3F9F] =	sst lr;
	_ =	strace $0xD0000000  }
0x3: {  	_ = 	snop  }
0x4: {  	_ = 	snop  }
0x5: {  	_ = 	snop  }
0x6: {  	_ = 	snop  }
0x7: {  	_ = 	snop  }
__scs_overlays_trampoline_lowered:
0x8: {  	[smem:$0x3FAE] =	sst s0  }
0x9: {  	[smem:$0x3FAF] =	sst s1  }
0xa: {  	[smem:$0x3FB0] =	sst s2  }
0xb: {  	[smem:$0x3FB1] =	sst s3  }
0xc: {  	[smem:$0x3FB2] =	sst s4  }
0xd: {  	[smem:$0x3FB3] =	sst s5  }
0xe: {  	[smem:$0x3FB4] =	sst s6  }
0xf: {  	[smem:$0x3FB5] =	sst s7  }
0x10: {  	[smem:$0x3FB6] =	sst s8  }
0x11: {  	[smem:$0x3FB7] =	sst s9;
	s0 =	simm.s32 @!p0 $0x0  }
0x12: {  	s1 =	sld [smem:$0x3F9D];
	s0 =	simm.s32 @p0 $0x1  }
0x13: {  	[smem:$0x3FB8] =	sst s0;
	s0 =	simm.s32 @!p1 $0x0  }
0x14: {  	s2 =	sld [smem:$0x3F9C];
	s0 =	simm.s32 @p1 $0x1  }
0x15: {  	[smem:$0x3FB9] =	sst s0;
	s0 =	simm.s32 @!p2 $0x0  }
0x16: {  	s3 =	sld [smem:$0x3FDB];
	s0 =	simm.s32 @p2 $0x1  }
0x17: {  	s4 =	simm.s32 $0x1BF5;
	[smem:$0x3FBB] =	sst s0  }
0x18: {  	s0 =	sld [smem:$0x3F9E];
	_ =	swait.ge [sflag:s4], $0x0  }
0x19: {  	s7 =	sld [smem:$0x3F9F]  }
0x1a: {  	s8 =	sadd.s32 $0xFFFFE003, lr  }
0x1b: {  	s9 =	sadd.s32 $0xFFFFFEF7, lr;
	s5 =	simm.s32 $0xFFFFFFFF;
	p2 =	slt.u32 s8, $0xFFFFF086  }
0x1c: {  	p1 =	slt.u32 s9, $0xF7A;
	s5 =	simm.s32 @!p2 $0x0  }
0x1d: {  	s5 =	simm.s32 @p1 $0x1;
	p0 =	seq.s32 s7, s2  }
0x1e: {  	s7 =	smul.u32 @!p0 $0xF7A, s2;
	p2 =	seq.s32 @!p0 s5, $0x0  }
0x1f: {  	s9 =	smul.u32 $0xF7A, s1;
	s8 =	simm.s32 @!p0 $0x1BF5;
	p2 =	por !p2, p0  }
0x20: {  	[sflag:s8] =	ssyncset.s32 @!p0 $0xFFFFF086;
	s6 =	sadd.s32 @!p0 s3, s7;
	s7 =	simm.s32 @!p0 $0x108  }
0x21: {  	s3 =	sadd.s32 s3, s9;
	s6 =	sadd.s32 @!p0 $0x88, s6;
	s7 =	simm.s32 @p2 $0x1082  }
0x22: {  	[simem:s7], [sflag:s8] =	dma.local @!p0 [hbm:s6], $0xF7A  }
0x23: {  	s9 =	sor.u32 $0xD0000000, s2;
	s6 =	simm.s32 $0x108;
	_ =	swait.ge @!p0 [sflag:s8], $0x0  }
0x24: {  	s3 =	sadd.s32 $0x88, s3;
	s6 =	simm.s32 @!p1 $0x1082;
	[sflag:s4] =	ssyncset.s32 $0xFFFFF086  }
0x25: {  	[simem:s6], [sflag:s4] =	dma.local [hbm:s3], $0xF7A  }
0x26: {  	[smem:$0x3F9F] =	sst s1;
	(tag) =	ssettag s2;
	_ =	strace s9  }
0x27: {  	s1 =	sld [smem:$0x3FAF]  }
0x28: {  	s2 =	sld [smem:$0x3FB0]  }
0x29: {  	s4 =	sld [smem:$0x3FB2]  }
0x2a: {  	p0 =	seq.s32 s5, $0x0;
	s5 =	sld [smem:$0x3FB3]  }
0x2b: {  	s6 =	sld [smem:$0x3FB4]  }
0x2c: {  	s7 =	sld [smem:$0x3FB5]  }
0x2d: {  	s3 =	simm.s32 $0x108;
	s8 =	sld [smem:$0x3FB6]  }
0x2e: {  	s3 =	simm.s32 @!p0 $0x1082;
	s9 =	sld [smem:$0x3FB7]  }
0x2f: {  	lr =	sadd.s32 s0, s3;
	s0 =	sld [smem:$0x3FAE]  }
0x30: {  	s3 =	sld [smem:$0x3FB1]  }
0x31: {  	[smem:$0x3FBA] =	sst s10  }
0x32: {  	s10 =	sld [smem:$0x3FB8];
	_ =	sdelay $0x3  }
0x33: {  	p0 =	seq.s32 s10, $0x1;
	s10 =	sld [smem:$0x3FBA];
	_ =	sdelay $0x3  }
0x34: {  	[smem:$0x3FBA] =	sst s10  }
0x35: {  	s10 =	sld [smem:$0x3FB9];
	_ =	sdelay $0x3  }
0x36: {  	p1 =	seq.s32 s10, $0x1;
	s10 =	sld [smem:$0x3FBA];
	_ =	sdelay $0x3  }
0x37: {  	[smem:$0x3FBA] =	sst s10  }
0x38: {  	s10 =	sld [smem:$0x3FBB]  }
0x39: {  	_ = 	snop;
	(pc) =	sbr.ind lr, $3  }
0x3a: {  	_ = 	snop  }
0x3b: {  	_ = 	snop  }
0x3c: {  	p2 =	seq.s32 s10, $0x1;
	s10 =	sld [smem:$0x3FBA]  }
0x3d: {  	_ =	shalt  }
0x3e: {  	_ =	shalt  }
0x3f: {  	_ =	shalt  }
0x40: {  	_ =	shalt  }
0x41: {  	_ =	shalt  }
0x42: {  	_ =	shalt  }
0x43: {  	_ =	shalt  }
0x44: {  	_ =	shalt  }
0x45: {  	_ =	shalt  }
0x46: {  	_ =	shalt  }
0x47: {  	_ =	shalt  }
0x48: {  	_ =	shalt  }
0x49: {  	_ =	shalt  }
0x4a: {  	_ =	shalt  }
0x4b: {  	_ =	shalt  }
0x4c: {  	_ =	shalt  }
0x4d: {  	_ =	shalt  }
0x4e: {  	_ =	shalt  }
0x4f: {  	_ =	shalt  }
0x50: {  	_ =	shalt  }
0x51: {  	_ =	shalt  }
0x52: {  	_ =	shalt  }
0x53: {  	_ =	shalt  }
0x54: {  	_ =	shalt  }
0x55: {  	_ =	shalt  }
0x56: {  	_ =	shalt  }
0x57: {  	_ =	shalt  }
0x58: {  	_ =	shalt  }
0x59: {  	_ =	shalt  }
0x5a: {  	_ =	shalt  }
0x5b: {  	_ =	shalt  }
0x5c: {  	_ =	shalt  }
0x5d: {  	_ =	shalt  }
0x5e: {  	_ =	shalt  }
0x5f: {  	_ =	shalt  }
0x60: {  	_ =	shalt  }
0x61: {  	_ =	shalt  }
0x62: {  	_ =	shalt  }
0x63: {  	_ =	shalt  }
0x64: {  	_ =	shalt  }
0x65: {  	_ =	shalt  }
0x66: {  	_ =	shalt  }
0x67: {  	_ =	shalt  }
0x68: {  	_ =	shalt  }
0x69: {  	_ =	shalt  }
0x6a: {  	_ =	shalt  }
0x6b: {  	_ =	shalt  }
0x6c: {  	_ =	shalt  }
0x6d: {  	_ =	shalt  }
0x6e: {  	_ =	shalt  }
0x6f: {  	_ =	shalt  }
0x70: {  	_ =	shalt  }
0x71: {  	_ =	shalt  }
0x72: {  	_ =	shalt  }
0x73: {  	_ =	shalt  }
0x74: {  	_ =	shalt  }
0x75: {  	_ =	shalt  }
0x76: {  	_ =	shalt  }
0x77: {  	_ =	shalt  }
0x78: {  	_ =	shalt  }
0x79: {  	_ =	shalt  }
0x7a: {  	_ =	shalt  }
0x7b: {  	_ =	shalt  }
0x7c: {  	_ =	shalt  }
0x7d: {  	_ =	shalt  }
0x7e: {  	_ =	shalt  }
0x7f: {  	_ =	shalt  }
0x80: {  	_ =	shalt  }
0x81: {  	_ =	shalt  }
0x82: {  	_ =	shalt  }
0x83: {  	_ =	shalt  }
0x84: {  	_ =	shalt  }
0x85: {  	_ =	shalt  }
0x86: {  	_ =	shalt  }
0x87: {  	_ =	shalt  }
.Lfunc_end0:
.L_simem_size_0:
called_computation.1_lowered:
.L_overlay_start_0:
0x88: {  	s2 =	sld [smem:$0x3FD9]  }
0x89: {  	s3 =	sld [smem:$0x3FFE];
	_ =	sdelay $0x1  }
0x8a: {  	s1 =	srdreg.scid  }
0x8b: {  	s0 =	sand.u32 $0x1, s1  }
0x8c: {  	s17 =	sshll.u32 s0, $0xA;
	s2 =	sadd.s32 s3, s2  }
0x8d: {  	s2 =	sadd.s32 s2, s17  }
0x8e: {  	[smem:$0x3FC6] =	sst s2  }
0x8f: {  	_ = 	snop  }
0x90: {  	s2 =	sld [smem:$0x3FD0];
	(tm) =	ssettm $0x1  }
0x91: {  	s18 =	sld [smem:$0x3FFB];
	_ =	sdelay $0x3  }
0x92: {  	_ =	strace s18  }
0x93: {  	s3 =	sld [smem:$0x3FFC];
	_ =	sdelay $0x3  }
0x94: {  	_ =	strace s3  }
0x95: {  	s3 =	sld [smem:$0x3FFD];
	_ =	sdelay $0x3  }
0x96: {  	_ =	strace s3  }
0x97: {  	_ =	strace $0x8FFFFFFF  }
0x98: {  	s19 =	sld [smem:$0x3FDB];
	_ =	sdelay $0x1  }
0x99: {  	s4 =	simm.s32 $_scs_section_size  }
0x9a: {  	s5 =	simm.s32 $_size__tile_overlayer_lowered;
	s6 =	simm.s32 $_tile_overlayer_lowered  }
0x9b: {  	s22 =	simm.s32 $0x1BFF;
	s21 =	sshll.u32 s6, $0x1;
	s3 =	sadd.s32 s4, s19  }
0x9c: {  	s7 =	simm.s32 $0x0;
	s20 =	sshll.u32 s5, $0x1;
	s5 =	sadd.s32 s21, s3  }
0x9d: {  	[timem:s7], [sflag:s22] =	dma.local [hbm:s5], s20  }
0x9e: {  	_ =	swait.ge [sflag:s22], s20  }
0x9f: {  	s4 =	ssub.s32 $0x0, s20;
	[sflag:s22] =	ssyncset.done $0x0  }
0xa0: {  	[sflag:s22] =	ssyncadd.s32 s4;
	_ =	sdelay $0x1  }
0xa1: {  	s23 =	simm.s32 $0x1B8B  }
0xa2: {  	_ =	swait.ge [sflag:s23], $0x1  }
0xa3: {  	[sflag:s23] =	ssyncset.done $0x0  }
0xa4: {  	s25 =	simm.s32 $0x1B8E;
	s24 =	sld [smem:$0x3FFE];
	[sflag:s23] =	ssyncadd.s32 $0xFFFFFFFF  }
0xa5: {  	s26 =	simm.s32 $execute0_lowered;
	[smem:$0x3FD2] =	sst s25  }
0xa6: {  	s5 =	sshll.u32 s26, $0x1;
	_ =	strace $0x80000046;
	[dreg:$0x1] =	wrdreg $0xFFFFFFFF  }
0xa7: {  	s28 =	simm.s32 $_size_execute0_lowered;
	s3 =	sadd.s32 s3, s5;
	[dreg:$0x0] =	wrdreg $0x0  }
0xa8: {  	s5 =	sshll.u32 s28, $0x1;
	[dreg:$0x2] =	wrdreg s3  }
0xa9: {  	[dreg:$0x3] =	wrdreg s5  }
0xaa: {  	[dreg:$0x4] =	wrdreg $0xC0  }
0xab: {  	_ =	task [dreg:s7], $0x5FFFF  }
0xac: {  	[dreg:$0x1] =	wrdreg $0xFFFFFFFF  }
0xad: {  	[dreg:$0x0] =	wrdreg $0x60  }
0xae: {  	[dreg:$0x2] =	wrdreg s2  }
0xaf: {  	[dreg:$0x3] =	wrdreg s24  }
0xb0: {  	[dreg:$0x4] =	wrdreg $0x9  }
0xb1: {  	_ =	task.clear_ibuf [dreg:s7], $0x5FFFF;
	_ =	strace $0x90000046  }
0xb2: {  	s29 =	simm.s32 $0x9;
	_ =	strace $0x80000048  }
0xb3: {  	_ =	swait.ge [sflag:s29], $0x1  }
0xb4: {  	[sflag:s29] =	ssyncadd.s32 $0xFFFFFFFF  }
0xb5: {  	_ =	strace $0x90000048  }
0xb6: {  	_ =	sfence  }
0xb7: {  	s30 =	sld [smem:$0x0];
	_ =	sdelay $0x2  }
0xb8: {  	s31 =	sshll.u32 s1, $0xD;
	s1 =	sshrl.u32 s1, $0x2  }
0xb9: {  	s3 =	sand.u32 $0x4000, s31;
	s1 =	sadd.s32 s1, s30  }
0xba: {  	s0 =	sor.u32 s3, s0;
	s1 =	sshll.u32 s1, $0x11  }
0xbb: {  	s0 =	sor.u32 s1, s0  }
0xbc: {  	s0 =	sadd.s32 $0x8F2B, s0  }
0xbd: {  	[sflag:s0] =	ssyncadd.remote.s32 $0x1  }
0xbe: {  	_ =	sfence.sel $0xFFFF  }
0xbf: {  	[dreg:$0x0] =	wrdreg $0xFFFFFFFF;
	(pc) =	sbr.abs _section_cstart, $3  }
0xc0: {  	[dreg:$0x1] =	wrdreg $0xFFFFFFFF  }
0xc1: {  	_ =	task.clear_ibuf [dreg:s7], $0x2FFFF;
	_ =	strace $0x9FFFFFFF  }
0xc2: {  	(tm) =	ssettm $0x7FFFFFFF  }
0xc3: {  	_ =	shalt  }
tec
execute0_lowered:
.L_overlay_start_1:
0x0: {  	(tag) =	ssettag $0x1  }
0x1: {  	s6 =	rddreg [dreg:$0x0]  }
0x2: {  	s4 =	rddreg [dreg:$0x1]  }
0x3: {  	s2 =	simm.s32 $0x0;
	s3 =	srdreg.scid;
	s1 =	stileid.u32  }
0x4: {  	s10 =	simm.s32 $0x6400;
	s11 =	simm.s32 $0x6500;
	s12 =	simm.s32 $0x1  }
0x5: {  	s13 =	simm.s32 $0x6480;
	s14 =	simm.s32 $0xA500;
	s15 =	simm.s32 $0xE500  }
0x6: {  	s16 =	simm.s32 $0x2;
	s17 =	simm.s32 $0x12500;
	s18 =	simm.s32 $0x3  }
0x7: {  	s19 =	simm.s32 $0x4;
	s20 =	simm.s32 $0x0;
	[smem:$0x7FF] =	sst s2  }
0x8: {  	s3 =	sand.u32 $0x1, s3;
	s5 =	sshll.u32 s1, $0x1;
	_ =	strace $0x80000047  }
0x9: {  	s7 =	ssub.s32 $0x2, s3;
	s5 =	sor.u32 s3, s5;
	s3 =	sadd.s32 $0xF42E00, s4  }
0xa: {  	s4 =	sadd.s32 $0xA00, s4;
	s8 =	sshrl.u32 s7, $0x1;
	s9 =	smul.u32 $0xC80, s5  }
0xb: {  	s5 =	smul.u32 $0xC8, s5;
	s7 =	ssub.s32 s7, s8;
	s8 =	simm.s32 $0x5  }
0xc: {  	s6 =	sadd.s32 s6, s9;
	s7 =	smax.u32 s7, $0x1;
	s9 =	simm.s32 $0x80  }
.LBB2_1:
0xd: {  	[tilespmem:s2], [sflag:$0x5] =	stream.linear.gather [hbm4b:s6+s2], $0x6400, $0x38;
	[tilespmem:$0x16500] =	vst v63  }
0xe: {  	_ =	swait.ge [sflag:s8], $0x6400  }
0xf: {  	[sflag:s8] =	ssyncset.done $0x0  }
0x10: {  	[sflag:s8] =	ssyncadd.s32 $0xFFFF9C00  }
0x11: {  	v0 =	vld [tilespmem:$0x0]  }
0x12: {  	v1 =	vld [tilespmem:$0x10]  }
0x13: {  	v2 =	vld [tilespmem:$0x20]  }
0x14: {  	v3 =	vld [tilespmem:$0x30]  }
0x15: {  	v4 =	vld [tilespmem:$0x40]  }
0x16: {  	v5 =	vld [tilespmem:$0x50];
	v0 =	vshrl.u32 v0, $0x1  }
0x17: {  	v56 =	vld [tilespmem:$0x60];
	v55 =	vshrl.u32 v1, $0x1;
	[tilespmem:$0x6400] =	vst v0  }
0x18: {  	v58 =	vld [tilespmem:$0x70];
	v57 =	vshrl.u32 v2, $0x1;
	[tilespmem:$0x6410] =	vst v55  }
0x19: {  	v59 =	vshrl.u32 v3, $0x1;
	[tilespmem:$0x6420] =	vst v57  }
0x1a: {  	v60 =	vshrl.u32 v4, $0x1;
	[tilespmem:$0x6430] =	vst v59  }
0x1b: {  	v61 =	vshrl.u32 v5, $0x1;
	[tilespmem:$0x6440] =	vst v60  }
0x1c: {  	v62 =	vshrl.u32 v56, $0x1;
	[tilespmem:$0x6450] =	vst v61  }
0x1d: {  	v63 =	vshrl.u32 v58, $0x1;
	[tilespmem:$0x6460] =	vst v62  }
0x1e: {  	s21 =	simm.s32 $0x0;
	[tilespmem:$0x6470] =	vst v63  }
0x1f: {  	[tilespmem:s11], [sflag:$0x1] =	stream.indirect.gather [hbm4b:s3+s9], $0x80, s10, s9, $0xb8;
	[tilespmem:$0x16500] =	vst v63  }
.LBB2_2:
0x20: {  	_ =	swait.ge [sflag:s12], $0x4000;
	s22 =	sshllo.u32 s21, $0x1  }
0x21: {  	[sflag:s12] =	ssyncset.done $0x0;
	s23 =	sshll.u32 s22, $0x7  }
0x22: {  	[sflag:s12] =	ssyncadd.s32 $0xFFFFC000;
	s23 =	sand.u32 $0x3FFFFF80, s23  }
0x23: {  	v0 =	vld [tilespmem:s23+$0x0];
	_ =	sdelay $0x4  }
0x24: {  	v0 =	vshrl.u32 v0, $0x1  }
0x25: {  	[tilespmem:$0x6480] =	vst v0  }
0x26: {  	v0 =	vld [tilespmem:s23+$0x10];
	_ =	sdelay $0x4  }
0x27: {  	v0 =	vshrl.u32 v0, $0x1  }
0x28: {  	[tilespmem:$0x6490] =	vst v0  }
0x29: {  	v0 =	vld [tilespmem:s23+$0x20];
	_ =	sdelay $0x4  }
0x2a: {  	v0 =	vshrl.u32 v0, $0x1  }
0x2b: {  	[tilespmem:$0x64A0] =	vst v0  }
0x2c: {  	v0 =	vld [tilespmem:s23+$0x30];
	_ =	sdelay $0x4  }
0x2d: {  	v0 =	vshrl.u32 v0, $0x1  }
0x2e: {  	[tilespmem:$0x64B0] =	vst v0  }
0x2f: {  	v0 =	vld [tilespmem:s23+$0x40];
	_ =	sdelay $0x4  }
0x30: {  	v0 =	vshrl.u32 v0, $0x1  }
0x31: {  	[tilespmem:$0x64C0] =	vst v0  }
0x32: {  	v0 =	vld [tilespmem:s23+$0x50];
	_ =	sdelay $0x4  }
0x33: {  	v0 =	vshrl.u32 v0, $0x1  }
0x34: {  	[tilespmem:$0x64D0] =	vst v0  }
0x35: {  	v0 =	vld [tilespmem:s23+$0x60];
	_ =	sdelay $0x4  }
0x36: {  	v0 =	vshrl.u32 v0, $0x1  }
0x37: {  	[tilespmem:$0x64E0] =	vst v0  }
0x38: {  	v0 =	vld [tilespmem:s23+$0x70];
	_ =	sdelay $0x3  }
0x39: {  	s24 =	sshll.u32 s21, $0x8  }
0x3a: {  	p0 =	seq.s32 s21, $0x0;
	s24 =	sand.u32 $0x3FFFFF00, s24;
	v0 =	vshrl.u32 v0, $0x1  }
0x3b: {  	s25 =	simm.s32 @!p0 $0x3;
	[tilespmem:$0x64F0] =	vst v0;
	v0 =	vmov s24  }
0x3c: {  	[tilespmem:s14], [sflag:$0x2] =	stream.indirect.gather [hbm4b:s3+s9], $0x80, s13, s9, $0xb8;
	[tilespmem:$0x16500] =	vst v63  }
0x3d: {  	_ =	swait.ge @!p0 [sflag:s25], $0x4000  }
0x3e: {  	s26 =	simm.s32 $0x0;
	[sflag:s25] =	ssyncset.done @!p0 $0x0  }
0x3f: {  	s31 =	sand.u32 $0x70, s26;
	[sflag:s25] =	ssyncadd.s32 @!p0 $0xFFFFC000  }
0x40: {  	v1 =	vld.idx.msk [tilespmem:v0+s31+$0x0 ss:$0x1], $0xffff  }
0x41: {  	s25 =	simm.s32 $0x6540  }
0x42: {  	v2 =	vld [tilespmem:s25+$0x0]  }
0x43: {  	v3 =	vld [tilespmem:s25+$0xFFFFFFC0];
	_ =	sdelay $0x1  }
0x44: {  	v1 =	vand.u32 $0x1, v1  }
0x45: {  	v1 =	vcvt.s32.f32 v1  }
0x46: {  	v4 =	vmov s26  }
0x47: {  	v4 =	vperm.xlane v1, v4;
	v1 =	vsub.f32 v2, v3;
	_ =	sdelay $0x1  }
0x48: {  	v1 =	vmul.f32 v1, v4;
	_ =	sdelay $0x1  }
0x49: {  	v1 =	vadd.f32 v1, v3  }
0x4a: {  	s26 =	simm.s32 $0xE520  }
0x4b: {  	[tilespmem:s26+$0xFFFFFFE0] =	vst v1  }
0x4c: {  	v1 =	vld [tilespmem:s25+$0xFFFFFFD0]  }
0x4d: {  	v2 =	vld [tilespmem:s25+$0x10];
	_ =	sdelay $0x4  }
0x4e: {  	v2 =	vsub.f32 v2, v1;
	_ =	sdelay $0x1  }
0x4f: {  	v2 =	vmul.f32 v2, v4;
	_ =	sdelay $0x1  }
0x50: {  	v1 =	vadd.f32 v2, v1;
	_ =	sdelay $0x1  }
0x51: {  	[tilespmem:s26+$0xFFFFFFF0] =	vst v1  }
0x52: {  	v1 =	vld [tilespmem:s25+$0xFFFFFFE0]  }
0x53: {  	v2 =	vld [tilespmem:s25+$0x20];
	_ =	sdelay $0x4  }
0x54: {  	v2 =	vsub.f32 v2, v1;
	_ =	sdelay $0x1  }
0x55: {  	v2 =	vmul.f32 v2, v4;
	_ =	sdelay $0x1  }
0x56: {  	v1 =	vadd.f32 v2, v1;
	_ =	sdelay $0x1  }
0x57: {  	[tilespmem:s26+$0x0] =	vst v1  }
0x58: {  	v1 =	vld [tilespmem:s25+$0xFFFFFFF0]  }
0x59: {  	v2 =	vld [tilespmem:s25+$0x30];
	_ =	sdelay $0x4  }
0x5a: {  	v2 =	vsub.f32 v2, v1;
	_ =	sdelay $0x1  }
0x5b: {  	s28 =	sshll.u32 s21, $0x1;
	s30 =	simm.s32 $0x1;
	s29 =	simm.s32 $0xE520;
	v2 =	vmul.f32 v2, v4  }
.LBB2_3:
0x5c: {  	p0 =	sne.s32 s30, $0x7F;
	s25 =	sadd.s32 $0x80, s25;
	s26 =	sadd.s32 $0x80, s26  }
0x5d: {  	s31 =	smov.u32 s30;
	s30 =	sadd.s32 $0x1, s30;
	v1 =	vadd.f32 v2, v1;
	_ =	sdelay $0x1  }
0x5e: {  	s0 =	sand.u32 $0x70, s31;
	[tilespmem:s29+$0x10] =	vst v1;
	s29 =	smov.u32 s26  }
0x5f: {  	v1 =	vld.idx.msk [tilespmem:v0+s0+$0x0 ss:$0x1], $0xffff;
	_ =	sdelay $0x2  }
0x60: {  	v2 =	vld [tilespmem:s25+$0x0]  }
0x61: {  	v3 =	vld [tilespmem:s25+$0xFFFFFFC0];
	_ =	sdelay $0x1  }
0x62: {  	v1 =	vand.u32 $0x1, v1  }
0x63: {  	v1 =	vcvt.s32.f32 v1  }
0x64: {  	v4 =	vmov s31  }
0x65: {  	v4 =	vperm.xlane v1, v4;
	v1 =	vsub.f32 v2, v3;
	_ =	sdelay $0x1  }
0x66: {  	v1 =	vmul.f32 v1, v4;
	_ =	sdelay $0x1  }
0x67: {  	v1 =	vadd.f32 v1, v3;
	_ =	sdelay $0x1  }
0x68: {  	[tilespmem:s26+$0xFFFFFFE0] =	vst v1  }
0x69: {  	v1 =	vld [tilespmem:s25+$0xFFFFFFD0]  }
0x6a: {  	v2 =	vld [tilespmem:s25+$0x10];
	_ =	sdelay $0x4  }
0x6b: {  	v2 =	vsub.f32 v2, v1;
	_ =	sdelay $0x1  }
0x6c: {  	v2 =	vmul.f32 v2, v4;
	_ =	sdelay $0x1  }
0x6d: {  	v1 =	vadd.f32 v2, v1;
	_ =	sdelay $0x1  }
0x6e: {  	[tilespmem:s26+$0xFFFFFFF0] =	vst v1  }
0x6f: {  	v1 =	vld [tilespmem:s25+$0xFFFFFFE0]  }
0x70: {  	v2 =	vld [tilespmem:s25+$0x20];
	_ =	sdelay $0x4  }
0x71: {  	v2 =	vsub.f32 v2, v1;
	_ =	sdelay $0x1  }
0x72: {  	v2 =	vmul.f32 v2, v4;
	_ =	sdelay $0x1  }
0x73: {  	v1 =	vadd.f32 v2, v1;
	_ =	sdelay $0x1  }
0x74: {  	[tilespmem:s26+$0x0] =	vst v1  }
0x75: {  	v1 =	vld [tilespmem:s25+$0xFFFFFFF0]  }
0x76: {  	v2 =	vld [tilespmem:s25+$0x30];
	_ =	sdelay $0x2  }
.Ltmp0:
0x77: {  	(pc) =	sbr.rel @p0 .LBB2_3-.Ltmp0, $3  }
0x78: {  	_ = 	snop  }
0x79: {  	v2 =	vsub.f32 v2, v1;
	_ =	sdelay $0x1  }
0x7a: {  	v2 =	vmul.f32 v2, v4  }
0x7b: {  	_ = 	snop  }
0x7c: {  	s0 =	sadd.s32 s5, s28;
	v0 =	vadd.f32 v2, v1  }
0x7d: {  	s0 =	sshll.u32 s0, $0xB  }
0x7e: {  	s0 =	sadd.s32 s4, s0;
	[tilespmem:s29+$0x10] =	vst v0  }
0x7f: {  	[hbm4b:s0+s2] =	stream.linear.scatter [tilespmem:s15], [sflag:$0x3], $0x4000, $0x38;
	[tilespmem:$0x16500] =	vst v63  }
0x80: {  	_ =	swait.ge [sflag:s16], $0x4000  }
0x81: {  	[sflag:s16] =	ssyncset.done $0x0  }
0x82: {  	p0 =	seq.s32 s21, $0x63;
	[sflag:s16] =	ssyncadd.s32 $0xFFFFC000  }
0x83: {  	v0 =	vld @!p0 [tilespmem:s24+$0x100];
	_ =	sdelay $0x4  }
0x84: {  	v0 =	vshrl.u32 @!p0 v0, $0x1  }
0x85: {  	[tilespmem:$0x6400] =	vst @!p0 v0  }
0x86: {  	v0 =	vld @!p0 [tilespmem:s24+$0x110];
	_ =	sdelay $0x4  }
0x87: {  	v0 =	vshrl.u32 @!p0 v0, $0x1  }
0x88: {  	[tilespmem:$0x6410] =	vst @!p0 v0  }
0x89: {  	v0 =	vld @!p0 [tilespmem:s24+$0x120];
	_ =	sdelay $0x4  }
0x8a: {  	v0 =	vshrl.u32 @!p0 v0, $0x1  }
0x8b: {  	[tilespmem:$0x6420] =	vst @!p0 v0  }
0x8c: {  	v0 =	vld @!p0 [tilespmem:s24+$0x130];
	_ =	sdelay $0x4  }
0x8d: {  	v0 =	vshrl.u32 @!p0 v0, $0x1  }
0x8e: {  	[tilespmem:$0x6430] =	vst @!p0 v0  }
0x8f: {  	v0 =	vld @!p0 [tilespmem:s24+$0x140];
	_ =	sdelay $0x4  }
0x90: {  	v0 =	vshrl.u32 @!p0 v0, $0x1  }
0x91: {  	[tilespmem:$0x6440] =	vst @!p0 v0  }
0x92: {  	v0 =	vld @!p0 [tilespmem:s24+$0x150];
	_ =	sdelay $0x4  }
0x93: {  	v0 =	vshrl.u32 @!p0 v0, $0x1  }
0x94: {  	[tilespmem:$0x6450] =	vst @!p0 v0  }
0x95: {  	v0 =	vld @!p0 [tilespmem:s24+$0x160];
	_ =	sdelay $0x4  }
0x96: {  	v0 =	vshrl.u32 @!p0 v0, $0x1  }
0x97: {  	[tilespmem:$0x6460] =	vst @!p0 v0  }
0x98: {  	v0 =	vld @!p0 [tilespmem:s24+$0x170];
	_ =	sdelay $0x4  }
0x99: {  	p1 =	seq.s32 @!p0 s21, $0x0;
	v0 =	vshrl.u32 @!p0 v0, $0x1  }
0x9a: {  	s25 =	simm.s32 @!p0 $0x6500;
	s0 =	simm.s32 @!p0 $0x80;
	s24 =	simm.s32 @!p0 $0x6400;
	[tilespmem:$0x6470] =	vst @!p0 v0  }
0x9b: {  	[tilespmem:s25], [sflag:$0x1] =	stream.indirect.gather @!p0 [hbm4b:s3+s0], $0x80, s24, s0, $0xb8;
	[tilespmem:$0x16500] =	vst v63  }
0x9c: {  	p0 =	por p0, !p1  }
0x9d: {  	_ =	swait.ge @p0 [sflag:s19], $0x4000  }
0x9e: {  	v2 =	vmov s23;
	[sflag:s19] =	ssyncset.done @p0 $0x0  }
0x9f: {  	s24 =	simm.s32 $0x0;
	[sflag:s19] =	ssyncadd.s32 @p0 $0xFFFFC000  }
0xa0: {  	v0 =	vld [tilespmem:s24+$0xA500]  }
0xa1: {  	s25 =	simm.s32 $0x0;
	v3 =	vld [tilespmem:s24+$0xA540]  }
0xa2: {  	s23 =	simm.s32 $0x200;
	s26 =	sand.u32 $0x70, s25;
	v1 =	vld [tilespmem:s24+$0xA510]  }
.LBB2_5:
0xa3: {  	p0 =	sne.s32 s23, $0xFE00;
	v4 =	vld.idx.msk [tilespmem:v2+s26+$0x0 ss:$0x1], $0xffff  }
0xa4: {  	v5 =	vld [tilespmem:s24+$0xA550]  }
0xa5: {  	v6 =	vld [tilespmem:s24+$0xA520]  }
0xa6: {  	v7 =	vld [tilespmem:s24+$0xA560]  }
0xa7: {  	v8 =	vld [tilespmem:s24+$0xA530]  }
0xa8: {  	v9 =	vld [tilespmem:s24+$0xA570]  }
0xa9: {  	v4 =	vand.u32 $0x1, v4  }
0xaa: {  	v4 =	vcvt.s32.f32 v4  }
0xab: {  	v10 =	vmov s25  }
0xac: {  	v3 =	vsub.f32 v3, v0;
	v5 =	vsub.f32 v5, v1;
	v4 =	vperm.xlane v4, v10  }
0xad: {  	v7 =	vsub.f32 v7, v6;
	v9 =	vsub.f32 v9, v8  }
0xae: {  	v3 =	vmul.f32 v3, v4;
	v5 =	vmul.f32 v5, v4  }
0xaf: {  	v7 =	vmul.f32 v7, v4;
	v4 =	vmul.f32 v9, v4  }
0xb0: {  	v0 =	vadd.f32 v3, v0;
	v1 =	vadd.f32 v5, v1  }
.Ltmp1:
0xb1: {  	v5 =	vadd.f32 v7, v6;
	v4 =	vadd.f32 v4, v8;
	(pc) =	sbr.rel @p0 .LBB2_5-.Ltmp1, $4  }
0xb2: {  	s0 =	sshra.s32 s23, $0x2;
	[tilespmem:s24+$0x12500] =	vst v0  }
0xb3: {  	v0 =	vld [tilespmem:s0+$0xA500];
	[tilespmem:s24+$0x12510] =	vst v1  }
0xb4: {  	s25 =	sadd.s32 $0x1, s25;
	v3 =	vld [tilespmem:s0+$0xA540];
	[tilespmem:s24+$0x12520] =	vst v5  }
0xb5: {  	s23 =	sadd.s32 $0x200, s23;
	s26 =	sand.u32 $0x70, s25;
	v1 =	vld [tilespmem:s0+$0xA510];
	[tilespmem:s24+$0x12530] =	vst v4;
	s24 =	smov.u32 s0  }
0xb6: {  	_ =	sdelay $0x3  }
0xb7: {  	v2 =	vld.idx.msk [tilespmem:v2+s26+$0x0 ss:$0x1], $0xffff;
	_ =	sdelay $0x1  }
0xb8: {  	v4 =	vld [tilespmem:s24+$0xA550]  }
0xb9: {  	v5 =	vld [tilespmem:s24+$0xA520]  }
0xba: {  	v6 =	vld [tilespmem:s24+$0xA560]  }
0xbb: {  	v7 =	vld [tilespmem:s24+$0xA530];
	v2 =	vand.u32 $0x1, v2  }
0xbc: {  	v8 =	vld [tilespmem:s24+$0xA570];
	v2 =	vcvt.s32.f32 v2  }
0xbd: {  	v9 =	vmov s25  }
0xbe: {  	v3 =	vsub.f32 v3, v0;
	v2 =	vperm.xlane v2, v9  }
0xbf: {  	v4 =	vsub.f32 v4, v1  }
0xc0: {  	v6 =	vsub.f32 v6, v5;
	v3 =	vmul.f32 v3, v2  }
0xc1: {  	v8 =	vsub.f32 v8, v7;
	v4 =	vmul.f32 v4, v2  }
0xc2: {  	s21 =	sadd.s32 $0x1, s21;
	v6 =	vmul.f32 v6, v2;
	v60 =	vadd.f32 v3, v0  }
0xc3: {  	p0 =	sne.s32 s21, $0x64;
	v2 =	vmul.f32 v8, v2;
	v61 =	vadd.f32 v4, v1  }
.Ltmp2:
0xc4: {  	s0 =	sadd.s32 s5, s22;
	v62 =	vadd.f32 v6, v5;
	[tilespmem:s24+$0x12500] =	vst v60;
	(pc) =	sbr.rel @p0 .LBB2_2-.Ltmp2, $4  }
0xc5: {  	s0 =	sshll.u32 s0, $0xB;
	v63 =	vadd.f32 v2, v7;
	[tilespmem:s24+$0x12510] =	vst v61  }
0xc6: {  	s0 =	sand.u32 $0x1FFFF800, s0;
	[tilespmem:s24+$0x12520] =	vst v62  }
0xc7: {  	s0 =	sadd.s32 s4, s0;
	[tilespmem:s24+$0x12530] =	vst v63  }
0xc8: {  	[hbm4b:s0+s2] =	stream.linear.scatter [tilespmem:s17], [sflag:$0x4], $0x4000, $0x38;
	[tilespmem:$0x16500] =	vst v63  }
0xc9: {  	s20 =	sadd.s32 $0x1, s20  }
0xca: {  	_ =	swait.ge [sflag:s18], $0x4000;
	p0 =	sne.s32 s20, s7  }
.Ltmp3:
0xcb: {  	[sflag:s18] =	ssyncset.done $0x0;
	(pc) =	sbr.rel @p0 .LBB2_1-.Ltmp3, $4  }
0xcc: {  	[sflag:s18] =	ssyncadd.s32 $0xFFFFC000  }
0xcd: {  	_ =	swait.ge [sflag:s19], $0x4000  }
0xce: {  	[sflag:s19] =	ssyncset.done $0x0  }
0xcf: {  	[sflag:s19] =	ssyncadd.s32 $0xFFFFC000  }
0xd0: {  	_ =	sfence.sel $0x180000  }
0xd1: {  	[bflag:$0x0] =	sbarrier.arrive $0xFFFF  }
0xd2: {  	_ =	strace $0x90000047  }
0xd3: {  	[bflag:$0x2] =	sbarrier.arrive $0xFFFF  }
0xd4: {  	p0 =	sne.s32 s1, $0x0;
	s0 =	rddreg [dreg:$0x2]  }
0xd5: {  	s0 =	sadd.s32 @!p0 $0x100000, s0  }
0xd6: {  	[sflag:s0] =	ssyncadd.tile.s32 @!p0 $0x1;
	_ =	shalt  }
.Lfunc_end2:
_tile_overlayer_lowered:
.L_overlay_start_2:
0xd7: {  	(tag) =	ssettag $0x2  }
0xd8: {  	s0 =	rddreg [dreg:$0x0];
	s2 =	stileid.u32  }
0xd9: {  	s1 =	rddreg [dreg:$0x1];
	p0 =	sne.s32 s2, $0x0  }
0xda: {  	s3 =	rddreg [dreg:$0x2];
	[bflag:$0x3] =	sbarrier.arrive $0xFFFF;
	s2 =	simm.s32 @!p0 $0x1C05  }
0xdb: {  	[timem:s3], [sflag:s2] =	dma.local @!p0 [hbm:s0], s1  }
0xdc: {  	s0 =	simm.s32 @!p0 $0x5  }
0xdd: {  	_ =	swait.ge @!p0 [sflag:s0], s1  }
0xde: {  	s1 =	ssub.s32 @!p0 $0x0, s1;
	[sflag:s0] =	ssyncset.done @!p0 $0x0  }
0xdf: {  	[sflag:s0] =	ssyncadd.s32 @!p0 s1  }
0xe0: {  	[bflag:$0x3] =	sbarrier.arrive $0xFFFF  }
0xe1: {  	_ =	shalt  }

// kernel: sparse-core-data-format-call.cloned.1.call-start
scs
called_computation_lowered:
.L_overlay_start_0:
0x0: {  	s2 =	sld [smem:$0x3FD9]  }
0x1: {  	s3 =	sld [smem:$0x3FFE];
	_ =	sdelay $0x1  }
0x2: {  	s1 =	srdreg.scid  }
0x3: {  	s0 =	sand.u32 $0x1, s1  }
0x4: {  	s18 =	sshll.u32 s0, $0xA;
	s2 =	sadd.s32 s3, s2  }
0x5: {  	s2 =	sadd.s32 s2, s18  }
0x6: {  	[smem:$0x3FC6] =	sst s2  }
0x7: {  	_ = 	snop  }
0x8: {  	s2 =	sld [smem:$0x3FD0];
	(tm) =	ssettm $0x1  }
0x9: {  	s19 =	sld [smem:$0x3FFB];
	_ =	sdelay $0x3  }
0xa: {  	_ =	strace s19  }
0xb: {  	s3 =	sld [smem:$0x3FFC];
	_ =	sdelay $0x3  }
0xc: {  	_ =	strace s3  }
0xd: {  	s3 =	sld [smem:$0x3FFD];
	_ =	sdelay $0x3  }
0xe: {  	_ =	strace s3  }
0xf: {  	_ =	strace $0x8FFFFFFF  }
0x10: {  	s20 =	sld [smem:$0x3FDB];
	_ =	sdelay $0x1  }
0x11: {  	s4 =	simm.s32 $_scs_section_size  }
0x12: {  	s5 =	simm.s32 $_size__tile_overlayer_lowered;
	s6 =	simm.s32 $_tile_overlayer_lowered  }
0x13: {  	s23 =	simm.s32 $0x1BFF;
	s22 =	sshll.u32 s6, $0x1;
	s3 =	sadd.s32 s4, s20  }
0x14: {  	s7 =	simm.s32 $0x0;
	s21 =	sshll.u32 s5, $0x1;
	s5 =	sadd.s32 s22, s3  }
0x15: {  	[timem:s7], [sflag:s23] =	dma.local [hbm:s5], s21  }
0x16: {  	_ =	swait.ge [sflag:s23], s21  }
0x17: {  	s4 =	ssub.s32 $0x0, s21;
	[sflag:s23] =	ssyncset.done $0x0  }
0x18: {  	[sflag:s23] =	ssyncadd.s32 s4;
	_ =	sdelay $0x1  }
0x19: {  	s24 =	simm.s32 $0x1B8B  }
0x1a: {  	_ =	swait.ge [sflag:s24], $0x1  }
0x1b: {  	[sflag:s24] =	ssyncset.done $0x0  }
0x1c: {  	s26 =	simm.s32 $0x1B8E;
	s25 =	sld [smem:$0x3FFE];
	[sflag:s24] =	ssyncadd.s32 $0xFFFFFFFF  }
0x1d: {  	s27 =	simm.s32 $execute0_lowered;
	[smem:$0x3FD2] =	sst s26  }
0x1e: {  	s5 =	sshll.u32 s27, $0x1;
	_ =	strace $0x80000049;
	[dreg:$0x1] =	wrdreg $0xFFFFFFFF  }
0x1f: {  	s28 =	simm.s32 $_size_execute0_lowered;
	s3 =	sadd.s32 s3, s5;
	[dreg:$0x0] =	wrdreg $0x0  }
0x20: {  	s5 =	sshll.u32 s28, $0x1;
	[dreg:$0x2] =	wrdreg s3  }
0x21: {  	[dreg:$0x3] =	wrdreg s5  }
0x22: {  	[dreg:$0x4] =	wrdreg $0xC0  }
0x23: {  	_ =	task [dreg:s7], $0x5FFFF  }
0x24: {  	[dreg:$0x1] =	wrdreg $0xFFFFFFFF  }
0x25: {  	[dreg:$0x0] =	wrdreg $0x60  }
0x26: {  	[dreg:$0x2] =	wrdreg s25  }
0x27: {  	[dreg:$0x3] =	wrdreg s2  }
0x28: {  	[dreg:$0x4] =	wrdreg $0x9  }
0x29: {  	_ =	task.clear_ibuf [dreg:s7], $0x5FFFF;
	_ =	strace $0x90000049  }
0x2a: {  	s29 =	simm.s32 $0x9;
	_ =	strace $0x8000004B  }
0x2b: {  	_ =	swait.ge [sflag:s29], $0x1  }
0x2c: {  	[sflag:s29] =	ssyncadd.s32 $0xFFFFFFFF  }
0x2d: {  	_ =	strace $0x9000004B  }
0x2e: {  	_ =	sfence  }
0x2f: {  	s30 =	sld [smem:$0x0];
	_ =	sdelay $0x2  }
0x30: {  	s31 =	sshll.u32 s1, $0xD;
	s1 =	sshrl.u32 s1, $0x2  }
0x31: {  	s3 =	sand.u32 $0x4000, s31;
	s1 =	sadd.s32 s1, s30  }
0x32: {  	s0 =	sor.u32 s3, s0;
	s1 =	sshll.u32 s1, $0x11  }
0x33: {  	s0 =	sor.u32 s1, s0  }
0x34: {  	s0 =	sadd.s32 $0x8F2B, s0  }
0x35: {  	[sflag:s0] =	ssyncadd.remote.s32 $0x1  }
0x36: {  	_ =	sfence.sel $0xFFFF  }
0x37: {  	[dreg:$0x0] =	wrdreg $0xFFFFFFFF;
	(pc) =	sbr.abs _section_cstart, $3  }
0x38: {  	[dreg:$0x1] =	wrdreg $0xFFFFFFFF  }
0x39: {  	_ =	task.clear_ibuf [dreg:s7], $0x2FFFF;
	_ =	strace $0x9FFFFFFF  }
0x3a: {  	(tm) =	ssettm $0x7FFFFFFF  }
0x3b: {  	_ =	shalt  }
tec
execute0_lowered:
.L_overlay_start_1:
0x0: {  	(tag) =	ssettag $0x1  }
0x1: {  	s0 =	srdreg.scid  }
0x2: {  	s1 =	sshll.u32 s0, $0x4  }
0x3: {  	s0 =	stileid.u32;
	s1 =	sand.u32 $0x10, s1  }
0x4: {  	s1 =	sor.u32 s0, s1  }
0x5: {  	s6 =	rddreg [dreg:$0x0];
	s4 =	simm.s32 $0x1;
	s2 =	sshll.u32 s1, $0x7  }
0x6: {  	s7 =	simm.s32 $0x2;
	s12 =	simm.s32 $0x0;
	s1 =	ssub.s32 $0x1000, s2  }
0x7: {  	s8 =	simm.s32 $0x8000;
	s13 =	simm.s32 $0x0;
	s3 =	sand.u32 $0xF80, s1  }
0x8: {  	s9 =	simm.s32 $0x0;
	s5 =	sshrl.u32 s1, $0xC;
	p0 =	sne.s32 s3, $0x0  }
.Ltmp0:
0x9: {  	s1 =	rddreg [dreg:$0x2];
	s4 =	simm.s32 @!p0 $0x0;
	(pc) =	sbr.rel .LBB1_1-.Ltmp0, $4  }
0xa: {  	s11 =	simm.s32 $0x0;
	s3 =	rddreg [dreg:$0x1];
	s5 =	sadd.s32 s4, s5  }
0xb: {  	_ =	strace $0x8000004A;
	s4 =	simm.s32 $0x1;
	s5 =	smul.u32 $0xC8, s5  }
0xc: {  	s6 =	sadd.s32 $0xA00, s6;
	s10 =	smov.u32 s2;
	[sflag:s4] =	ssyncpa.u1 $0x0  }
0xd: {  	p0 =	por $0x0, $0x0;
	[sflag:s7] =	ssyncpa.u1 $0x0;
	s7 =	sor.u32 $0x1, s5  }
.LBB1_4:
0xe: {  	s16 =	sshll.u32 s13, $0x3;
	s17 =	sand.u32 $0x78, s13  }
0xf: {  	s30 =	sand.u32 $0x7E00, s13;
	s12 =	sshll.u32 s12, $0xF;
	s16 =	sand.u32 $0xC00, s16  }
0x10: {  	[tilespmem:s15+$0x810 ss:$0x81] =	vst.msk $0xffff, v2;
	s31 =	sand.u32 $0x7, s13;
	s16 =	sor.u32 s17, s16;
	s17 =	sadd.s32 s3, s30  }
0x11: {  	[tilespmem:s15+$0x1020 ss:$0x81] =	vst.msk $0xffff, v0;
	s13 =	sshll.u32 s31, $0x12;
	s12 =	sadd.s32 s12, s17;
	s16 =	sshrl.u32 s16, $0x3  }
0x12: {  	[tilespmem:s15+$0x0 ss:$0x81] =	vst.msk $0xffff, v1;
	s13 =	sor.u32 $0x400, s13;
	s12 =	sadd.s32 s16, s12  }
0x13: {  	[hbm4b:s12+s13] =	stream.strided.scatter [tilespmem:s14], [sflag:$0x2], $0x2000, s8, s13, $0x20;
	[tilespmem:$0x8080] =	vst v63  }
.LBB1_5:
0x14: {  	s14 =	sadd.s32 $0x1, s9  }
0x15: {  	s12 =	sadd.s32 $0x1000, s10;
	s16 =	smov.u32 s10;
	p2 =	sgt.s32 s14, $0xC7  }
0x16: {  	s16 =	smov.u32 @p2 s12  }
0x17: {  	s14 =	simm.s32 @p2 $0x0;
	p2 =	sgt.s32 s16, $0xFFF  }
0x18: {  	s16 =	smov.u32 @p2 s2;
	p2 =	sne.s32 s11, s7  }
.Ltmp1:
0x19: {  	p1 =	slt.u32 s11, $0x2;
	(pc) =	sbr.rel @!p2 .LBB1_6-.Ltmp1, $4  }
0x1a: {  	s15 =	simm.s32 @!p1 $0x2  }
0x1b: {  	s13 =	smov.u32 s10;
	p0 =	por !p0, !p0;
	_ =	swait.ge @!p1 [sflag:s15], $0x2000  }
0x1c: {  	s12 =	smov.u32 s9;
	[sflag:s15] =	ssyncset.done @!p1 $0x0;
	s9 =	smov.u32 s14  }
0x1d: {  	s11 =	sadd.s32 $0x1, s11;
	[sflag:s15] =	ssyncadd.s32 @!p1 $0xFFFFE000;
	s10 =	smov.u32 s16  }
.LBB1_1:
0x1e: {  	p1 =	sge.u32 s11, s5  }
0x1f: {  	s14 =	sand.u32 @!p1 $0x1FFFFFF, s9  }
0x20: {  	s15 =	smulhi.u32 @!p1 $0x147AE15, s14;
	_ =	sdelay $0x1  }
0x21: {  	s15 =	smul.u32 @!p1 $0xC8, s15  }
0x22: {  	s16 =	sxor.u32 @!p1 $0xFFFFFFFF, s11;
	s17 =	smul.u32 @!p1 $0xC80, s10  }
0x23: {  	s31 =	sadd.s32 $0xFFFFFFFF, s11;
	s16 =	sshll.u32 @!p1 s16, $0xD;
	s14 =	ssub.s32 @!p1 s14, s15  }
0x24: {  	s15 =	sand.u32 @!p1 $0x2000, s16;
	s16 =	sadd.s32 @!p1 s6, s17;
	s14 =	sshll.u32 @!p1 s14, $0x4  }
0x25: {  	s17 =	simm.s32 @!p1 $0x6400;
	s14 =	sadd.s32 @!p1 s14, s16;
	s16 =	simm.s32 @!p1 $0x40  }
0x26: {  	[tilespmem:s15], [sflag:$0x1] =	stream.strided.gather @!p1 [hbm4b:s14+s16], $0x2000, s17, s16, $0x38;
	[tilespmem:$0x8080] =	vst v63  }
0x27: {  	p1 =	sge.u32 s31, s5  }
.Ltmp2:
0x28: {  	_ = 	snop;
	(pc) =	sbr.rel @p1 .LBB1_5-.Ltmp2, $1  }
0x29: {  	_ =	sdelay $0x3  }
0x2a: {  	s14 =	simm.s32 $0x1  }
0x2b: {  	_ =	swait.ge [sflag:s4], $0x2000;
	s14 =	simm.s32 @!p0 $0x0  }
0x2c: {  	[sflag:s4] =	ssyncset.done $0x0;
	s15 =	sshll.u32 s14, $0xD  }
0x2d: {  	[sflag:s4] =	ssyncadd.s32 $0xFFFFE000;
	s18 =	sor.u32 $0x20, s15  }
0x2e: {  	s14 =	smul.u32 $0x8100, s14;
	v3 =	vld [tilespmem:s18+$0x10]  }
0x2f: {  	s30 =	sand.u32 $0x1, s11;
	v2 =	vld [tilespmem:s18+$0xFFFFFFF0]  }
0x30: {  	s15 =	smul.u32 $0x8100, s30;
	s14 =	sshrl.u32 s14, $0x2;
	v0 =	vld [tilespmem:s18+$0x0]  }
0x31: {  	v1 =	vld [tilespmem:s18+$0xFFFFFFE0];
	s16 =	sor.u32 $0x4000, s14  }
0x32: {  	s31 =	sshrl.u32 s15, $0x2;
	s15 =	sadd.s32 $0x0, s16  }
0x33: {  	s17 =	simm.s32 $0x4;
	s18 =	sadd.s32 $0x40, s18;
	s14 =	sor.u32 $0x4000, s31;
	[tilespmem:s15+$0x1830 ss:$0x81] =	vst.msk $0xffff, v3  }
.LBB1_3:
0x34: {  	v3 =	vld [tilespmem:s18+$0x10];
	p1 =	sne.s32 s17, $0x1FC;
	[tilespmem:s15+$0x810 ss:$0x81] =	vst.msk $0xffff, v2;
	s19 =	smov.u32 s17;
	s17 =	sadd.s32 $0x4, s17  }
.Ltmp3:
0x35: {  	v2 =	vld [tilespmem:s18+$0xFFFFFFF0];
	[tilespmem:s15+$0x1020 ss:$0x81] =	vst.msk $0xffff, v0;
	(pc) =	sbr.rel @p1 .LBB1_3-.Ltmp3, $4  }
0x36: {  	v0 =	vld [tilespmem:s18+$0x0];
	[tilespmem:s15+$0x0 ss:$0x81] =	vst.msk $0xffff, v1  }
0x37: {  	s15 =	sshra.s32 s19, $0x2;
	v1 =	vld [tilespmem:s18+$0xFFFFFFE0]  }
0x38: {  	s15 =	sadd.s32 s15, s16  }
0x39: {  	s18 =	sadd.s32 $0x40, s18;
	[tilespmem:s15+$0x1830 ss:$0x81] =	vst.msk $0xffff, v3  }
.Ltmp4:
0x3a: {  	_ = 	snop;
	(pc) =	sbr.rel .LBB1_4-.Ltmp4, $1  }
0x3b: {  	_ =	sdelay $0x3  }
.LBB1_6:
0x3c: {  	_ =	sfence.sel $0x180000  }
0x3d: {  	s2 =	simm.s32 $0x1;
	[bflag:$0x0] =	sbarrier.arrive $0xFFFF  }
0x3e: {  	s31 =	simm.s32 $0x2;
	[sflag:s2] =	ssyncpa.u1 $0x1  }
0x3f: {  	[sflag:s31] =	ssyncpa.u1 $0x1  }
0x40: {  	p0 =	sne.s32 s0, $0x0;
	_ =	strace $0x9000004A  }
0x41: {  	s0 =	sadd.s32 @!p0 $0x100000, s1;
	[bflag:$0x2] =	sbarrier.arrive $0xFFFF  }
0x42: {  	[sflag:s0] =	ssyncadd.tile.s32 @!p0 $0x1;
	_ =	shalt  }
.Lfunc_end1:
_tile_overlayer_lowered:
.L_overlay_start_2:
0x43: {  	(tag) =	ssettag $0x2  }
0x44: {  	s0 =	rddreg [dreg:$0x0];
	s2 =	stileid.u32  }
0x45: {  	s1 =	rddreg [dreg:$0x1];
	p0 =	sne.s32 s2, $0x0  }
0x46: {  	s3 =	rddreg [dreg:$0x2];
	[bflag:$0x3] =	sbarrier.arrive $0xFFFF;
	s2 =	simm.s32 @!p0 $0x1C01  }
0x47: {  	[timem:s3], [sflag:s2] =	dma.local @!p0 [hbm:s0], s1  }
0x48: {  	s0 =	simm.s32 @!p0 $0x1  }
0x49: {  	_ =	swait.ge @!p0 [sflag:s0], s1  }
0x4a: {  	s1 =	ssub.s32 @!p0 $0x0, s1;
	[sflag:s0] =	ssyncset.done @!p0 $0x0  }
0x4b: {  	[sflag:s0] =	ssyncadd.s32 @!p0 s1  }
0x4c: {  	[bflag:$0x3] =	sbarrier.arrive $0xFFFF  }
0x4d: {  	_ =	shalt  }

</sc_bundles>
